<compile_context>
chip_gen: v7x
topology: tpu7x:2x2x1
jax: 0.10.2.dev20260603
libtpu: 0.0.44.dev20260713+nightly
codegen_flags: <defaults>
</compile_context>

<pallas_src>
import functools

import jax
import jax.numpy as jnp
from jax import lax
from jax.experimental import pallas as pl
from jax.experimental.pallas import tpu as pltpu
from jax.experimental.pallas import tpu_sc as plsc

_NC = 2
_NS = 16
_NW = _NC * _NS


def _assemble_body(texts_hbm, img_hbm, embed_hbm, out_hbm,
                   texts_v, img_v, tok_v, dst_v, rows_v, sem,
                   *, S, P, D, V, LP):
    wid = lax.axis_index("s") * _NC + lax.axis_index("c")
    b = wid // 4
    q = wid % 4

    pltpu.sync_copy(texts_hbm.at[pl.ds(b * S, S)], texts_v.at[pl.ds(0, S)])
    pltpu.sync_copy(img_hbm, img_v)
    img = img_v[...]

    io16 = lax.broadcasted_iota(jnp.int32, (16,), 0)

    def _pos_step(i, acc):
        t = texts_v[pl.ds(i * 16, 16)]
        return acc + jnp.where(t == img, io16 + i * 16, 0)

    acc = lax.fori_loop(0, S // 16, _pos_step, jnp.zeros((16,), jnp.int32))
    pos = acc[0]
    for i in range(1, 16):
        pos = pos + acc[i]

    u0 = q * 128
    for j in range(8):
        off = u0 + j * 16
        u = off + io16
        t0 = texts_v[pl.ds(off, 16)]
        t1 = texts_v[pl.ds(off + 1, 16)]
        is_pre = u < pos
        tok = jnp.clip(jnp.where(is_pre, t0, t1), 0, V - 1)
        dest = b * LP + jnp.where(is_pre, u, u + P)
        c = j // 4
        o = (j % 4) * 16
        tok_v[c, pl.ds(o, 16)] = tok
        dst_v[c, pl.ds(o, 16)] = dest

    for c in range(2):
        pltpu.async_copy(embed_hbm.at[tok_v.at[c]], rows_v, sem).wait()
        pltpu.async_copy(rows_v, out_hbm.at[dst_v.at[c]], sem).wait()


def _assemble(texts, img16, embed_table, S, P, D, LP):
    b = texts.shape[0]
    body = functools.partial(_assemble_body, S=S, P=P, D=D,
                             V=embed_table.shape[0], LP=LP)
    k = pl.kernel(
        body,
        out_type=jax.ShapeDtypeStruct((b * LP, D), jnp.float32),
        mesh=plsc.VectorSubcoreMesh(core_axis_name="c", subcore_axis_name="s"),
        scratch_types=[
            pltpu.VMEM((S + 16,), jnp.int32),
            pltpu.VMEM((16,), jnp.int32),
            pltpu.VMEM((2, 64), jnp.int32),
            pltpu.VMEM((2, 64), jnp.int32),
            pltpu.VMEM((64, D), jnp.float32),
            pltpu.SemaphoreType.DMA,
        ],
    )
    return k(texts.reshape(b * S), img16, embed_table)


def _emb_body(vis_ref, w_ref, b_ref, flat_ref, texts_ref, img_ref,
              emb_ref, *, L, P):
    row = texts_ref[...]
    img = img_ref[0, 0]
    s = row.shape[-1]
    io = lax.broadcasted_iota(jnp.int32, (1, 1, s), 2)
    pos = jnp.max(jnp.where(row == img, io, -1))

    proj = (
        jnp.dot(vis_ref[0].astype(jnp.bfloat16),
                w_ref[...].astype(jnp.bfloat16),
                preferred_element_type=jnp.float32)
        + b_ref[...]
    )

    t_col = lax.broadcasted_iota(jnp.int32, (L, 1), 0)
    j_row = lax.broadcasted_iota(jnp.int32, (L, P), 1)
    perm = (t_col - j_row == pos).astype(jnp.float32)
    aligned = jnp.dot(perm, proj, preferred_element_type=jnp.float32)
    vis_row = (t_col >= pos) & (t_col < pos + P)
    emb_ref[0, :, :] = jnp.where(vis_row, aligned, flat_ref[0, :L, :])


def _emb(visual_features, w, bias, flat3, texts, img11, L, P):
    b, s = texts.shape
    d = w.shape[0]
    lp = flat3.shape[1]
    return pl.pallas_call(
        functools.partial(_emb_body, L=L, P=P),
        grid=(b,),
        in_specs=[
            pl.BlockSpec((1, P, d), lambda i: (i, 0, 0)),
            pl.BlockSpec((d, d), lambda i: (0, 0)),
            pl.BlockSpec((1, d), lambda i: (0, 0)),
            pl.BlockSpec((1, lp, d), lambda i: (i, 0, 0)),
            pl.BlockSpec((1, 1, s), lambda i: (i, 0, 0)),
            pl.BlockSpec((1, 1), lambda i: (0, 0)),
        ],
        out_specs=pl.BlockSpec((1, L, d), lambda i: (i, 0, 0)),
        out_shape=jax.ShapeDtypeStruct((b, L, d), jnp.float32),
    )(visual_features, w, bias.reshape(1, d), flat3,
      texts.reshape(b, 1, s), img11)


def _mask_body(texts_ref, img_ref, mask_ref, *, L, P):
    row = texts_ref[...]
    img = img_ref[0, 0]
    s = row.shape[-1]
    io = lax.broadcasted_iota(jnp.int32, (1, 1, s), 2)
    pos = jnp.max(jnp.where(row == img, io, -1))
    q = lax.broadcasted_iota(jnp.int32, (1, 1, L, L), 2)
    k = lax.broadcasted_iota(jnp.int32, (1, 1, L, L), 3)
    vis_q = (q >= pos) & (q < pos + P)
    vis_k = (k >= pos) & (k < pos + P)
    mask_ref[...] = ((q >= k) | (vis_q & vis_k)).astype(jnp.float32)


def _mask(texts, img11, L, P):
    b, s = texts.shape
    return pl.pallas_call(
        functools.partial(_mask_body, L=L, P=P),
        grid=(b,),
        in_specs=[
            pl.BlockSpec((1, 1, s), lambda i: (i, 0, 0)),
            pl.BlockSpec((1, 1), lambda i: (0, 0)),
        ],
        out_specs=pl.BlockSpec((1, 1, L, L), lambda i: (i, 0, 0, 0)),
        out_shape=jax.ShapeDtypeStruct((b, 1, L, L), jnp.float32),
    )(texts.reshape(b, 1, s), img11)


def kernel(visual_features, texts, embed_table, proj_W, proj_b, image_token_id):
    b, s = texts.shape
    p = visual_features.shape[1]
    d = visual_features.shape[2]
    L = s - 1 + p
    LP = L + 1

    img16 = jnp.full((16,), image_token_id, dtype=jnp.int32)
    img11 = img16[:1].reshape(1, 1)

    flat = _assemble(texts, img16, embed_table, s, p, d, LP)
    mask = _mask(texts, img11, L, p)
    emb = _emb(visual_features, proj_W, proj_b,
               flat.reshape(b, LP, d), texts, img11, L, p)
    return emb, mask

# --- scband reference (transcript-rebuilt; emitter-appended) ---
"""Pipeline reference for scband-connector-76141180224098 (READ-ONLY COPY).

The authoritative reference and input builder live on the scoring server;
editing this copy changes nothing except your own understanding.
"""

import jax, jax.numpy as jnp
import numpy as np

B = 8
S = 512
P = 256
D = 1024
VOCAB = 32000
IMG_ID = 31999


def setup_inputs(seed: int = 0) -> dict:
    key = jax.random.key(seed)
    k1, k2, k3, k4 = jax.random.split(key, 4)
    visual_features = jax.random.normal(k1, (B, P, D), dtype=jnp.float32)
    # random token ids in [0, IMG_ID) so they never collide with the image token id
    texts = jax.random.randint(k2, (B, S), 0, IMG_ID, dtype=jnp.int32)
    # plant exactly one image token per row at a known (varying) position
    pos = np.array([10 + 37 * i for i in range(B)], dtype=np.int32)
    texts = texts.at[jnp.arange(B), jnp.asarray(pos)].set(IMG_ID)
    embed_table = jax.random.normal(k3, (VOCAB, D), dtype=jnp.float32) * 0.02
    proj_W = jax.random.normal(k4, (D, D), dtype=jnp.float32) * 0.02
    proj_b = jnp.zeros((D,), dtype=jnp.float32)
    return {
        'visual_features': visual_features,
        'texts': texts,
        'embed_table': embed_table,
        'proj_W': proj_W,
        'proj_b': proj_b,
        'image_token_id': IMG_ID,
    }


def reference(visual_features, texts, embed_table, proj_W, proj_b, image_token_id):
    batch_size, seq_len = texts.shape
    num_visual = visual_features.shape[1]
    # per-example projection of flattened visual features (the abstract projection -> linear)
    projected_visual_features = []
    for b in range(batch_size):
        flat = visual_features[b].reshape(-1, visual_features.shape[-1])
        projected_visual_features.append(flat @ proj_W + proj_b)
    projected_visual = jnp.stack(projected_visual_features, axis=0)
    # embedding lookup (gather)
    text_embeddings = jnp.take(embed_table, texts, axis=0)
    d = text_embeddings.shape[-1]
    # exactly one image token per row (guaranteed by input construction): locate it traced
    pos = jnp.argmax((texts == image_token_id).astype(jnp.int32), axis=1)
    max_length = seq_len - 1 + num_visual
    idx = jnp.arange(max_length)
    pos_b = pos[:, None]
    # segment id per fused position: 0 = pre-image text, 1 = visual, 2 = post-image text
    seg = jnp.where(idx[None, :] < pos_b, 0,
                    jnp.where(idx[None, :] < pos_b + num_visual, 1, 2))
    text_idx = jnp.where(seg == 0, idx[None, :], idx[None, :] - num_visual + 1)
    text_idx = jnp.clip(text_idx, 0, seq_len - 1)
    vis_idx = jnp.clip(idx[None, :] - pos_b, 0, num_visual - 1)
    text_part = jnp.take_along_axis(text_embeddings, text_idx[:, :, None], axis=1)
    vis_part = jnp.take_along_axis(projected_visual, vis_idx[:, :, None], axis=1)
    padded_embeddings = jnp.where((seg == 1)[:, :, None], vis_part, text_part)
    # block attention mask: full attention to strictly earlier segments,
    # bidirectional within the visual segment, causal within text segments
    seg_q = seg[:, :, None]
    seg_k = seg[:, None, :]
    causal = (idx[None, :, None] >= idx[None, None, :])
    same = (seg_q == seg_k)
    within = jnp.where(seg_q == 1, True, causal)
    mask = jnp.where(seg_k < seg_q, 1.0,
                     jnp.where(same & within, 1.0, 0.0)).astype(jnp.float32)
    return padded_embeddings, mask[:, None, :, :]


if False:  # reference __main__ guard neutralized (emitter)
    out = reference(**setup_inputs())
    print(out[0].shape, out[1].shape)

if __name__ == "__main__":
    import jax
    _d = setup_inputs()
    print(jax.jit(kernel)(*tuple(_d.values())))

</pallas_src>

<mosaic_0001>
#map = affine_map<(d0, d1) -> (0)>
#map1 = affine_map<(d0, d1) -> (0, 0)>
module attributes {stable_mosaic.version = 14 : i64} {
  func.func @_assemble_body(%arg0: i32, %arg1: i32, %arg2: memref<4096xi32, #tpu.memory_space<hbm>>, %arg3: memref<16xi32, #tpu.memory_space<hbm>>, %arg4: memref<32000x1024xf32, #tpu.memory_space<hbm>>, %arg5: memref<6144x1024xf32, #tpu.memory_space<hbm>>, %arg6: memref<528xi32, #tpu.memory_space<vmem>>, %arg7: memref<16xi32, #tpu.memory_space<vmem>>, %arg8: memref<2x64xi32, #tpu.memory_space<vmem>>, %arg9: memref<2x64xi32, #tpu.memory_space<vmem>>, %arg10: memref<64x1024xf32, #tpu.memory_space<vmem>>, %arg11: memref<!tpu.dma_semaphore, #tpu.memory_space<semaphore_mem>>) attributes {dimension_semantics = [#tpu.dimension_semantics<core_parallel>, #tpu.dimension_semantics<subcore_parallel>], iteration_bounds = array<i64: 2, 16>, scalar_prefetch = 0 : i64, scratch_operands = 6 : i64, tpu.core_type = #tpu.core_type<sc_vector_subcore>, window_params = [{transform_indices = #map}, {transform_indices = #map}, {transform_indices = #map1}, {transform_indices = #map1}]} {
    %mul3A = arith.constant 2 : i32
    %mul3A_0 = arith.muli %arg1, %mul3A : i32
    %add3A = arith.addi %mul3A_0, %arg0 : i32
    %jit3A = arith.constant 4 : i32
    %div3A = arith.divsi %add3A, %jit3A : i32
    %sign3A = arith.constant 0 : i32
    %sign3A_1 = arith.cmpi sgt, %add3A, %sign3A : i32
    %sign3A_2 = arith.extui %sign3A_1 : i1 to i32
    %sign3A_3 = arith.constant 0 : i32
    %sign3A_4 = arith.cmpi slt, %add3A, %sign3A_3 : i32
    %sign3A_5 = arith.extui %sign3A_4 : i1 to i32
    %sign3A_6 = arith.subi %sign3A_2, %sign3A_5 : i32
    %sign3A_7 = arith.constant 0 : i32
    %sign3A_8 = arith.cmpi sgt, %jit3A, %sign3A_7 : i32
    %sign3A_9 = arith.extui %sign3A_8 : i1 to i32
    %sign3A_10 = arith.constant 0 : i32
    %sign3A_11 = arith.cmpi slt, %jit3A, %sign3A_10 : i32
    %sign3A_12 = arith.extui %sign3A_11 : i1 to i32
    %sign3A_13 = arith.subi %sign3A_9, %sign3A_12 : i32
    %ne3A = arith.cmpi ne, %sign3A_6, %sign3A_13 : i32
    %rem3A = arith.remsi %add3A, %jit3A : i32
    %ne3A_14 = arith.constant 0 : i32
    %ne3A_15 = arith.cmpi ne, %rem3A, %ne3A_14 : i32
    %and3A = arith.andi %ne3A, %ne3A_15 : i1
    %sub3A = arith.constant 1 : i32
    %sub3A_16 = arith.subi %div3A, %sub3A : i32
    %select_n3A = arith.select %and3A, %sub3A_16, %div3A : i32
    %jit3A_17 = arith.constant 4 : i32
    %eq3A = arith.constant 0 : i32
    %eq3A_18 = arith.cmpi eq, %jit3A_17, %eq3A : i32
    %jit3A_19 = arith.constant 1 : i32
    %select_n3A_20 = arith.select %eq3A_18, %jit3A_19, %jit3A_17 : i32
    %rem3A_21 = arith.remsi %add3A, %select_n3A_20 : i32
    %ne3A_22 = arith.constant 0 : i32
    %ne3A_23 = arith.cmpi ne, %rem3A_21, %ne3A_22 : i32
    %lt3A = arith.constant 0 : i32
    %lt3A_24 = arith.cmpi slt, %rem3A_21, %lt3A : i32
    %lt3A_25 = arith.constant 0 : i32
    %lt3A_26 = arith.cmpi slt, %select_n3A_20, %lt3A_25 : i32
    %ne3A_27 = arith.xori %lt3A_24, %lt3A_26 : i1
    %and3A_28 = arith.andi %ne3A_27, %ne3A_23 : i1
    %add3A_29 = arith.addi %rem3A_21, %select_n3A_20 : i32
    %select_n3A_30 = arith.select %and3A_28, %add3A_29, %rem3A_21 : i32
    %mul3A_31 = arith.constant 512 : i32
    %mul3A_32 = arith.muli %select_n3A, %mul3A_31 : i32
    "tpu.region"() ({
      %run_scoped3A = tpu.sem_alloc : memref<!tpu.dma_semaphore, #tpu.memory_space<semaphore_mem>>
      %dma_start3A_467 = arith.constant 0 : i32
      %dma_start3A_468 = tpu.memref_slice %arg6[%dma_start3A_467] : memref<528xi32, #tpu.memory_space<vmem>> -> memref<512xi32, #tpu.memory_space<vmem>>
      %dma_start3A_469 = tpu.memref_slice %arg2[%mul3A_32] : memref<4096xi32, #tpu.memory_space<hbm>> -> memref<512xi32, #tpu.memory_space<hbm>>
      %dma_start3A_470 = arith.constant 0 : i32
      %dma_start3A_471 = tpu.memref_slice %arg6[%dma_start3A_470] : memref<528xi32, #tpu.memory_space<vmem>> -> memref<512xi32, #tpu.memory_space<vmem>>
      %dma_start3A_472 = tpu.memref_slice %arg2[%mul3A_32] : memref<4096xi32, #tpu.memory_space<hbm>> -> memref<512xi32, #tpu.memory_space<hbm>>
      tpu.enqueue_dma source(%dma_start3A_472 : memref<512xi32, #tpu.memory_space<hbm>>) target(%dma_start3A_471 : memref<512xi32, #tpu.memory_space<vmem>>) target_semaphore(%run_scoped3A : memref<!tpu.dma_semaphore, #tpu.memory_space<semaphore_mem>>)
      %dma_wait3A_473 = arith.constant 0 : i32
      %dma_wait3A_474 = tpu.memref_slice %arg6[%dma_wait3A_473] : memref<528xi32, #tpu.memory_space<vmem>> -> memref<512xi32, #tpu.memory_space<vmem>>
      %dma_wait3A_475 = tpu.memref_slice %arg2[%mul3A_32] : memref<4096xi32, #tpu.memory_space<hbm>> -> memref<512xi32, #tpu.memory_space<hbm>>
      %dma_wait3A_476 = arith.constant 0 : i32
      %dma_wait3A_477 = tpu.memref_slice %arg6[%dma_wait3A_476] : memref<528xi32, #tpu.memory_space<vmem>> -> memref<512xi32, #tpu.memory_space<vmem>>
      %dma_wait3A_478 = tpu.memref_slice %arg2[%mul3A_32] : memref<4096xi32, #tpu.memory_space<hbm>> -> memref<512xi32, #tpu.memory_space<hbm>>
      tpu.wait_dma2 semaphore(%run_scoped3A : memref<!tpu.dma_semaphore, #tpu.memory_space<semaphore_mem>>) src(%dma_wait3A_478 : memref<512xi32, #tpu.memory_space<hbm>>) dst(%dma_wait3A_477 : memref<512xi32, #tpu.memory_space<vmem>>)
      tpu.yield
    }) : () -> ()
    "tpu.region"() ({
      %run_scoped3A = tpu.sem_alloc : memref<!tpu.dma_semaphore, #tpu.memory_space<semaphore_mem>>
      tpu.enqueue_dma source(%arg3 : memref<16xi32, #tpu.memory_space<hbm>>) target(%arg7 : memref<16xi32, #tpu.memory_space<vmem>>) target_semaphore(%run_scoped3A : memref<!tpu.dma_semaphore, #tpu.memory_space<semaphore_mem>>)
      tpu.wait_dma2 semaphore(%run_scoped3A : memref<!tpu.dma_semaphore, #tpu.memory_space<semaphore_mem>>) src(%arg3 : memref<16xi32, #tpu.memory_space<hbm>>) dst(%arg7 : memref<16xi32, #tpu.memory_space<vmem>>)
      tpu.yield
    }) : () -> ()
    %get3A = arith.constant 0 : index
    %get3A_33 = tpu.vector_load %arg7[%get3A] {strides = array<i32>} : memref<16xi32, #tpu.memory_space<vmem>>, vector<16xi32>,
    %get3A_34 = vector.shape_cast %get3A_33 : vector<16xi32> to vector<16xi32>
    %iota3A = tpu.iota {dimensions = array<i32: 0>} : vector<16xi32>
    %broadcast_in_dim3A = arith.constant 0 : i32
    %broadcast_in_dim3A_35 = vector.broadcast %broadcast_in_dim3A : i32 to vector<16xi32>
    %scan3A = arith.constant 0 : i32
    %scan3A_36 = arith.constant 32 : i32
    %scan3A_37 = arith.addi %scan3A, %scan3A_36 : i32
    %scan3A_38 = arith.constant 1 : i32
    %scan3A_39 = scf.for %scan3A_467 = %scan3A to %scan3A_37 step %scan3A_38 iter_args(%scan3A_468 = %broadcast_in_dim3A_35) -> (vector<16xi32>)  : i32 {
      %mul3A_469 = arith.constant 16 : i32
      %mul3A_470 = arith.muli %scan3A_467, %mul3A_469 : i32
      %get3A_471 = arith.index_cast %mul3A_470 : i32 to index
      %get3A_472 = tpu.vector_load %arg6[%get3A_471] {strides = array<i32>} : memref<528xi32, #tpu.memory_space<vmem>>, vector<16xi32>,
      %get3A_473 = vector.shape_cast %get3A_472 : vector<16xi32> to vector<16xi32>
      %eq3A_474 = arith.cmpi eq, %get3A_473, %get3A_34 : vector<16xi32>
      %mul3A_475 = arith.constant 16 : i32
      %mul3A_476 = arith.muli %scan3A_467, %mul3A_475 : i32
      %add3A_477 = vector.broadcast %mul3A_476 : i32 to vector<16xi32>
      %add3A_478 = arith.addi %iota3A, %add3A_477 : vector<16xi32>
      %jit3A_479 = arith.constant 0 : i32
      %broadcast_in_dim3A_480 = vector.broadcast %jit3A_479 : i32 to vector<16xi32>
      %select_n3A_481 = arith.select %eq3A_474, %add3A_478, %broadcast_in_dim3A_480 : vector<16xi1>, vector<16xi32>
      %add3A_482 = arith.addi %scan3A_468, %select_n3A_481 : vector<16xi32>
      scf.yield %add3A_482 : vector<16xi32>
    }
    %scan3A_40 = arith.constant 32 : i32
    %slice3A = vector.extract_strided_slice %scan3A_39 {offsets = [0], sizes = [1], strides = [1]} : vector<16xi32> to vector<1xi32>
    %squeeze3A = vector.extract %slice3A[0] : i32 from vector<1xi32>
    %slice3A_41 = vector.extract_strided_slice %scan3A_39 {offsets = [1], sizes = [1], strides = [1]} : vector<16xi32> to vector<1xi32>
    %squeeze3A_42 = vector.extract %slice3A_41[0] : i32 from vector<1xi32>
    %add3A_43 = arith.addi %squeeze3A, %squeeze3A_42 : i32
    %slice3A_44 = vector.extract_strided_slice %scan3A_39 {offsets = [2], sizes = [1], strides = [1]} : vector<16xi32> to vector<1xi32>
    %squeeze3A_45 = vector.extract %slice3A_44[0] : i32 from vector<1xi32>
    %add3A_46 = arith.addi %add3A_43, %squeeze3A_45 : i32
    %slice3A_47 = vector.extract_strided_slice %scan3A_39 {offsets = [3], sizes = [1], strides = [1]} : vector<16xi32> to vector<1xi32>
    %squeeze3A_48 = vector.extract %slice3A_47[0] : i32 from vector<1xi32>
    %add3A_49 = arith.addi %add3A_46, %squeeze3A_48 : i32
    %slice3A_50 = vector.extract_strided_slice %scan3A_39 {offsets = [4], sizes = [1], strides = [1]} : vector<16xi32> to vector<1xi32>
    %squeeze3A_51 = vector.extract %slice3A_50[0] : i32 from vector<1xi32>
    %add3A_52 = arith.addi %add3A_49, %squeeze3A_51 : i32
    %slice3A_53 = vector.extract_strided_slice %scan3A_39 {offsets = [5], sizes = [1], strides = [1]} : vector<16xi32> to vector<1xi32>
    %squeeze3A_54 = vector.extract %slice3A_53[0] : i32 from vector<1xi32>
    %add3A_55 = arith.addi %add3A_52, %squeeze3A_54 : i32
    %slice3A_56 = vector.extract_strided_slice %scan3A_39 {offsets = [6], sizes = [1], strides = [1]} : vector<16xi32> to vector<1xi32>
    %squeeze3A_57 = vector.extract %slice3A_56[0] : i32 from vector<1xi32>
    %add3A_58 = arith.addi %add3A_55, %squeeze3A_57 : i32
    %slice3A_59 = vector.extract_strided_slice %scan3A_39 {offsets = [7], sizes = [1], strides = [1]} : vector<16xi32> to vector<1xi32>
    %squeeze3A_60 = vector.extract %slice3A_59[0] : i32 from vector<1xi32>
    %add3A_61 = arith.addi %add3A_58, %squeeze3A_60 : i32
    %slice3A_62 = vector.extract_strided_slice %scan3A_39 {offsets = [8], sizes = [1], strides = [1]} : vector<16xi32> to vector<1xi32>
    %squeeze3A_63 = vector.extract %slice3A_62[0] : i32 from vector<1xi32>
    %add3A_64 = arith.addi %add3A_61, %squeeze3A_63 : i32
    %slice3A_65 = vector.extract_strided_slice %scan3A_39 {offsets = [9], sizes = [1], strides = [1]} : vector<16xi32> to vector<1xi32>
    %squeeze3A_66 = vector.extract %slice3A_65[0] : i32 from vector<1xi32>
    %add3A_67 = arith.addi %add3A_64, %squeeze3A_66 : i32
    %slice3A_68 = vector.extract_strided_slice %scan3A_39 {offsets = [10], sizes = [1], strides = [1]} : vector<16xi32> to vector<1xi32>
    %squeeze3A_69 = vector.extract %slice3A_68[0] : i32 from vector<1xi32>
    %add3A_70 = arith.addi %add3A_67, %squeeze3A_69 : i32
    %slice3A_71 = vector.extract_strided_slice %scan3A_39 {offsets = [11], sizes = [1], strides = [1]} : vector<16xi32> to vector<1xi32>
    %squeeze3A_72 = vector.extract %slice3A_71[0] : i32 from vector<1xi32>
    %add3A_73 = arith.addi %add3A_70, %squeeze3A_72 : i32
    %slice3A_74 = vector.extract_strided_slice %scan3A_39 {offsets = [12], sizes = [1], strides = [1]} : vector<16xi32> to vector<1xi32>
    %squeeze3A_75 = vector.extract %slice3A_74[0] : i32 from vector<1xi32>
    %add3A_76 = arith.addi %add3A_73, %squeeze3A_75 : i32
    %slice3A_77 = vector.extract_strided_slice %scan3A_39 {offsets = [13], sizes = [1], strides = [1]} : vector<16xi32> to vector<1xi32>
    %squeeze3A_78 = vector.extract %slice3A_77[0] : i32 from vector<1xi32>
    %add3A_79 = arith.addi %add3A_76, %squeeze3A_78 : i32
    %slice3A_80 = vector.extract_strided_slice %scan3A_39 {offsets = [14], sizes = [1], strides = [1]} : vector<16xi32> to vector<1xi32>
    %squeeze3A_81 = vector.extract %slice3A_80[0] : i32 from vector<1xi32>
    %add3A_82 = arith.addi %add3A_79, %squeeze3A_81 : i32
    %slice3A_83 = vector.extract_strided_slice %scan3A_39 {offsets = [15], sizes = [1], strides = [1]} : vector<16xi32> to vector<1xi32>
    %squeeze3A_84 = vector.extract %slice3A_83[0] : i32 from vector<1xi32>
    %add3A_85 = arith.addi %add3A_82, %squeeze3A_84 : i32
    %mul3A_86 = arith.constant 128 : i32
    %mul3A_87 = arith.muli %select_n3A_30, %mul3A_86 : i32
    %add3A_88 = arith.constant 0 : i32
    %add3A_89 = arith.addi %mul3A_87, %add3A_88 : i32
    %add3A_90 = vector.broadcast %add3A_89 : i32 to vector<16xi32>
    %add3A_91 = arith.addi %add3A_90, %iota3A : vector<16xi32>
    %get3A_92 = arith.index_cast %add3A_89 : i32 to index
    %get3A_93 = tpu.vector_load %arg6[%get3A_92] {strides = array<i32>} : memref<528xi32, #tpu.memory_space<vmem>>, vector<16xi32>,
    %get3A_94 = vector.shape_cast %get3A_93 : vector<16xi32> to vector<16xi32>
    %add3A_95 = arith.constant 1 : i32
    %add3A_96 = arith.addi %add3A_89, %add3A_95 : i32
    %get3A_97 = arith.index_cast %add3A_96 : i32 to index
    %get3A_98 = tpu.vector_load %arg6[%get3A_97] {strides = array<i32>} : memref<528xi32, #tpu.memory_space<vmem>>, vector<16xi32>,
    %get3A_99 = vector.shape_cast %get3A_98 : vector<16xi32> to vector<16xi32>
    %lt3A_100 = vector.broadcast %add3A_85 : i32 to vector<16xi32>
    %lt3A_101 = arith.cmpi slt, %add3A_91, %lt3A_100 : vector<16xi32>
    %select_n3A_102 = arith.select %lt3A_101, %get3A_94, %get3A_99 : vector<16xi1>, vector<16xi32>
    %jit3A_103 = arith.constant 0 : i32
    %jit3A_104 = arith.constant 31999 : i32
    %max3A = vector.broadcast %jit3A_103 : i32 to vector<16xi32>
    %max3A_105 = arith.maxsi %max3A, %select_n3A_102 : vector<16xi32>
    %min3A = vector.broadcast %jit3A_104 : i32 to vector<16xi32>
    %min3A_106 = arith.minsi %min3A, %max3A_105 : vector<16xi32>
    %mul3A_107 = arith.constant 768 : i32
    %mul3A_108 = arith.muli %select_n3A, %mul3A_107 : i32
    %add3A_109 = arith.constant 256 : i32
    %add3A_110 = vector.broadcast %add3A_109 : i32 to vector<16xi32>
    %add3A_111 = arith.addi %add3A_91, %add3A_110 : vector<16xi32>
    %select_n3A_112 = arith.select %lt3A_101, %add3A_91, %add3A_111 : vector<16xi1>, vector<16xi32>
    %add3A_113 = vector.broadcast %mul3A_108 : i32 to vector<16xi32>
    %add3A_114 = arith.addi %add3A_113, %select_n3A_112 : vector<16xi32>
    %swap3A = arith.constant 0 : i32
    %swap3A_115 = arith.index_cast %swap3A : i32 to index
    %swap3A_116 = arith.constant 0 : index
    %swap3A_117 = tpu.vector_load %arg8[%swap3A_115, %swap3A_116] {strides = array<i32>} : memref<2x64xi32, #tpu.memory_space<vmem>>, vector<1x16xi32>,
    %swap3A_118 = vector.shape_cast %swap3A_117 : vector<1x16xi32> to vector<16xi32>
    %swap3A_119 = vector.shape_cast %min3A_106 : vector<16xi32> to vector<1x16xi32>
    tpu.vector_store %arg8[%swap3A_115, %swap3A_116], %swap3A_119 {strides = array<i32>} : memref<2x64xi32, #tpu.memory_space<vmem>>, vector<1x16xi32>,
    %swap3A_120 = arith.constant 0 : i32
    %swap3A_121 = arith.index_cast %swap3A_120 : i32 to index
    %swap3A_122 = arith.constant 0 : index
    %swap3A_123 = tpu.vector_load %arg9[%swap3A_121, %swap3A_122] {strides = array<i32>} : memref<2x64xi32, #tpu.memory_space<vmem>>, vector<1x16xi32>,
    %swap3A_124 = vector.shape_cast %swap3A_123 : vector<1x16xi32> to vector<16xi32>
    %swap3A_125 = vector.shape_cast %add3A_114 : vector<16xi32> to vector<1x16xi32>
    tpu.vector_store %arg9[%swap3A_121, %swap3A_122], %swap3A_125 {strides = array<i32>} : memref<2x64xi32, #tpu.memory_space<vmem>>, vector<1x16xi32>,
    %add3A_126 = arith.constant 16 : i32
    %add3A_127 = arith.addi %mul3A_87, %add3A_126 : i32
    %add3A_128 = vector.broadcast %add3A_127 : i32 to vector<16xi32>
    %add3A_129 = arith.addi %add3A_128, %iota3A : vector<16xi32>
    %get3A_130 = arith.index_cast %add3A_127 : i32 to index
    %get3A_131 = tpu.vector_load %arg6[%get3A_130] {strides = array<i32>} : memref<528xi32, #tpu.memory_space<vmem>>, vector<16xi32>,
    %get3A_132 = vector.shape_cast %get3A_131 : vector<16xi32> to vector<16xi32>
    %add3A_133 = arith.constant 1 : i32
    %add3A_134 = arith.addi %add3A_127, %add3A_133 : i32
    %get3A_135 = arith.index_cast %add3A_134 : i32 to index
    %get3A_136 = tpu.vector_load %arg6[%get3A_135] {strides = array<i32>} : memref<528xi32, #tpu.memory_space<vmem>>, vector<16xi32>,
    %get3A_137 = vector.shape_cast %get3A_136 : vector<16xi32> to vector<16xi32>
    %lt3A_138 = vector.broadcast %add3A_85 : i32 to vector<16xi32>
    %lt3A_139 = arith.cmpi slt, %add3A_129, %lt3A_138 : vector<16xi32>
    %select_n3A_140 = arith.select %lt3A_139, %get3A_132, %get3A_137 : vector<16xi1>, vector<16xi32>
    %jit3A_141 = arith.constant 0 : i32
    %jit3A_142 = arith.constant 31999 : i32
    %max3A_143 = vector.broadcast %jit3A_141 : i32 to vector<16xi32>
    %max3A_144 = arith.maxsi %max3A_143, %select_n3A_140 : vector<16xi32>
    %min3A_145 = vector.broadcast %jit3A_142 : i32 to vector<16xi32>
    %min3A_146 = arith.minsi %min3A_145, %max3A_144 : vector<16xi32>
    %mul3A_147 = arith.constant 768 : i32
    %mul3A_148 = arith.muli %select_n3A, %mul3A_147 : i32
    %add3A_149 = arith.constant 256 : i32
    %add3A_150 = vector.broadcast %add3A_149 : i32 to vector<16xi32>
    %add3A_151 = arith.addi %add3A_129, %add3A_150 : vector<16xi32>
    %select_n3A_152 = arith.select %lt3A_139, %add3A_129, %add3A_151 : vector<16xi1>, vector<16xi32>
    %add3A_153 = vector.broadcast %mul3A_148 : i32 to vector<16xi32>
    %add3A_154 = arith.addi %add3A_153, %select_n3A_152 : vector<16xi32>
    %swap3A_155 = arith.constant 0 : i32
    %swap3A_156 = arith.index_cast %swap3A_155 : i32 to index
    %swap3A_157 = arith.constant 16 : index
    %swap3A_158 = tpu.vector_load %arg8[%swap3A_156, %swap3A_157] {strides = array<i32>} : memref<2x64xi32, #tpu.memory_space<vmem>>, vector<1x16xi32>,
    %swap3A_159 = vector.shape_cast %swap3A_158 : vector<1x16xi32> to vector<16xi32>
    %swap3A_160 = vector.shape_cast %min3A_146 : vector<16xi32> to vector<1x16xi32>
    tpu.vector_store %arg8[%swap3A_156, %swap3A_157], %swap3A_160 {strides = array<i32>} : memref<2x64xi32, #tpu.memory_space<vmem>>, vector<1x16xi32>,
    %swap3A_161 = arith.constant 0 : i32
    %swap3A_162 = arith.index_cast %swap3A_161 : i32 to index
    %swap3A_163 = arith.constant 16 : index
    %swap3A_164 = tpu.vector_load %arg9[%swap3A_162, %swap3A_163] {strides = array<i32>} : memref<2x64xi32, #tpu.memory_space<vmem>>, vector<1x16xi32>,
    %swap3A_165 = vector.shape_cast %swap3A_164 : vector<1x16xi32> to vector<16xi32>
    %swap3A_166 = vector.shape_cast %add3A_154 : vector<16xi32> to vector<1x16xi32>
    tpu.vector_store %arg9[%swap3A_162, %swap3A_163], %swap3A_166 {strides = array<i32>} : memref<2x64xi32, #tpu.memory_space<vmem>>, vector<1x16xi32>,
    %add3A_167 = arith.constant 32 : i32
    %add3A_168 = arith.addi %mul3A_87, %add3A_167 : i32
    %add3A_169 = vector.broadcast %add3A_168 : i32 to vector<16xi32>
    %add3A_170 = arith.addi %add3A_169, %iota3A : vector<16xi32>
    %get3A_171 = arith.index_cast %add3A_168 : i32 to index
    %get3A_172 = tpu.vector_load %arg6[%get3A_171] {strides = array<i32>} : memref<528xi32, #tpu.memory_space<vmem>>, vector<16xi32>,
    %get3A_173 = vector.shape_cast %get3A_172 : vector<16xi32> to vector<16xi32>
    %add3A_174 = arith.constant 1 : i32
    %add3A_175 = arith.addi %add3A_168, %add3A_174 : i32
    %get3A_176 = arith.index_cast %add3A_175 : i32 to index
    %get3A_177 = tpu.vector_load %arg6[%get3A_176] {strides = array<i32>} : memref<528xi32, #tpu.memory_space<vmem>>, vector<16xi32>,
    %get3A_178 = vector.shape_cast %get3A_177 : vector<16xi32> to vector<16xi32>
    %lt3A_179 = vector.broadcast %add3A_85 : i32 to vector<16xi32>
    %lt3A_180 = arith.cmpi slt, %add3A_170, %lt3A_179 : vector<16xi32>
    %select_n3A_181 = arith.select %lt3A_180, %get3A_173, %get3A_178 : vector<16xi1>, vector<16xi32>
    %jit3A_182 = arith.constant 0 : i32
    %jit3A_183 = arith.constant 31999 : i32
    %max3A_184 = vector.broadcast %jit3A_182 : i32 to vector<16xi32>
    %max3A_185 = arith.maxsi %max3A_184, %select_n3A_181 : vector<16xi32>
    %min3A_186 = vector.broadcast %jit3A_183 : i32 to vector<16xi32>
    %min3A_187 = arith.minsi %min3A_186, %max3A_185 : vector<16xi32>
    %mul3A_188 = arith.constant 768 : i32
    %mul3A_189 = arith.muli %select_n3A, %mul3A_188 : i32
    %add3A_190 = arith.constant 256 : i32
    %add3A_191 = vector.broadcast %add3A_190 : i32 to vector<16xi32>
    %add3A_192 = arith.addi %add3A_170, %add3A_191 : vector<16xi32>
    %select_n3A_193 = arith.select %lt3A_180, %add3A_170, %add3A_192 : vector<16xi1>, vector<16xi32>
    %add3A_194 = vector.broadcast %mul3A_189 : i32 to vector<16xi32>
    %add3A_195 = arith.addi %add3A_194, %select_n3A_193 : vector<16xi32>
    %swap3A_196 = arith.constant 0 : i32
    %swap3A_197 = arith.index_cast %swap3A_196 : i32 to index
    %swap3A_198 = arith.constant 32 : index
    %swap3A_199 = tpu.vector_load %arg8[%swap3A_197, %swap3A_198] {strides = array<i32>} : memref<2x64xi32, #tpu.memory_space<vmem>>, vector<1x16xi32>,
    %swap3A_200 = vector.shape_cast %swap3A_199 : vector<1x16xi32> to vector<16xi32>
    %swap3A_201 = vector.shape_cast %min3A_187 : vector<16xi32> to vector<1x16xi32>
    tpu.vector_store %arg8[%swap3A_197, %swap3A_198], %swap3A_201 {strides = array<i32>} : memref<2x64xi32, #tpu.memory_space<vmem>>, vector<1x16xi32>,
    %swap3A_202 = arith.constant 0 : i32
    %swap3A_203 = arith.index_cast %swap3A_202 : i32 to index
    %swap3A_204 = arith.constant 32 : index
    %swap3A_205 = tpu.vector_load %arg9[%swap3A_203, %swap3A_204] {strides = array<i32>} : memref<2x64xi32, #tpu.memory_space<vmem>>, vector<1x16xi32>,
    %swap3A_206 = vector.shape_cast %swap3A_205 : vector<1x16xi32> to vector<16xi32>
    %swap3A_207 = vector.shape_cast %add3A_195 : vector<16xi32> to vector<1x16xi32>
    tpu.vector_store %arg9[%swap3A_203, %swap3A_204], %swap3A_207 {strides = array<i32>} : memref<2x64xi32, #tpu.memory_space<vmem>>, vector<1x16xi32>,
    %add3A_208 = arith.constant 48 : i32
    %add3A_209 = arith.addi %mul3A_87, %add3A_208 : i32
    %add3A_210 = vector.broadcast %add3A_209 : i32 to vector<16xi32>
    %add3A_211 = arith.addi %add3A_210, %iota3A : vector<16xi32>
    %get3A_212 = arith.index_cast %add3A_209 : i32 to index
    %get3A_213 = tpu.vector_load %arg6[%get3A_212] {strides = array<i32>} : memref<528xi32, #tpu.memory_space<vmem>>, vector<16xi32>,
    %get3A_214 = vector.shape_cast %get3A_213 : vector<16xi32> to vector<16xi32>
    %add3A_215 = arith.constant 1 : i32
    %add3A_216 = arith.addi %add3A_209, %add3A_215 : i32
    %get3A_217 = arith.index_cast %add3A_216 : i32 to index
    %get3A_218 = tpu.vector_load %arg6[%get3A_217] {strides = array<i32>} : memref<528xi32, #tpu.memory_space<vmem>>, vector<16xi32>,
    %get3A_219 = vector.shape_cast %get3A_218 : vector<16xi32> to vector<16xi32>
    %lt3A_220 = vector.broadcast %add3A_85 : i32 to vector<16xi32>
    %lt3A_221 = arith.cmpi slt, %add3A_211, %lt3A_220 : vector<16xi32>
    %select_n3A_222 = arith.select %lt3A_221, %get3A_214, %get3A_219 : vector<16xi1>, vector<16xi32>
    %jit3A_223 = arith.constant 0 : i32
    %jit3A_224 = arith.constant 31999 : i32
    %max3A_225 = vector.broadcast %jit3A_223 : i32 to vector<16xi32>
    %max3A_226 = arith.maxsi %max3A_225, %select_n3A_222 : vector<16xi32>
    %min3A_227 = vector.broadcast %jit3A_224 : i32 to vector<16xi32>
    %min3A_228 = arith.minsi %min3A_227, %max3A_226 : vector<16xi32>
    %mul3A_229 = arith.constant 768 : i32
    %mul3A_230 = arith.muli %select_n3A, %mul3A_229 : i32
    %add3A_231 = arith.constant 256 : i32
    %add3A_232 = vector.broadcast %add3A_231 : i32 to vector<16xi32>
    %add3A_233 = arith.addi %add3A_211, %add3A_232 : vector<16xi32>
    %select_n3A_234 = arith.select %lt3A_221, %add3A_211, %add3A_233 : vector<16xi1>, vector<16xi32>
    %add3A_235 = vector.broadcast %mul3A_230 : i32 to vector<16xi32>
    %add3A_236 = arith.addi %add3A_235, %select_n3A_234 : vector<16xi32>
    %swap3A_237 = arith.constant 0 : i32
    %swap3A_238 = arith.index_cast %swap3A_237 : i32 to index
    %swap3A_239 = arith.constant 48 : index
    %swap3A_240 = tpu.vector_load %arg8[%swap3A_238, %swap3A_239] {strides = array<i32>} : memref<2x64xi32, #tpu.memory_space<vmem>>, vector<1x16xi32>,
    %swap3A_241 = vector.shape_cast %swap3A_240 : vector<1x16xi32> to vector<16xi32>
    %swap3A_242 = vector.shape_cast %min3A_228 : vector<16xi32> to vector<1x16xi32>
    tpu.vector_store %arg8[%swap3A_238, %swap3A_239], %swap3A_242 {strides = array<i32>} : memref<2x64xi32, #tpu.memory_space<vmem>>, vector<1x16xi32>,
    %swap3A_243 = arith.constant 0 : i32
    %swap3A_244 = arith.index_cast %swap3A_243 : i32 to index
    %swap3A_245 = arith.constant 48 : index
    %swap3A_246 = tpu.vector_load %arg9[%swap3A_244, %swap3A_245] {strides = array<i32>} : memref<2x64xi32, #tpu.memory_space<vmem>>, vector<1x16xi32>,
    %swap3A_247 = vector.shape_cast %swap3A_246 : vector<1x16xi32> to vector<16xi32>
    %swap3A_248 = vector.shape_cast %add3A_236 : vector<16xi32> to vector<1x16xi32>
    tpu.vector_store %arg9[%swap3A_244, %swap3A_245], %swap3A_248 {strides = array<i32>} : memref<2x64xi32, #tpu.memory_space<vmem>>, vector<1x16xi32>,
    %add3A_249 = arith.constant 64 : i32
    %add3A_250 = arith.addi %mul3A_87, %add3A_249 : i32
    %add3A_251 = vector.broadcast %add3A_250 : i32 to vector<16xi32>
    %add3A_252 = arith.addi %add3A_251, %iota3A : vector<16xi32>
    %get3A_253 = arith.index_cast %add3A_250 : i32 to index
    %get3A_254 = tpu.vector_load %arg6[%get3A_253] {strides = array<i32>} : memref<528xi32, #tpu.memory_space<vmem>>, vector<16xi32>,
    %get3A_255 = vector.shape_cast %get3A_254 : vector<16xi32> to vector<16xi32>
    %add3A_256 = arith.constant 1 : i32
    %add3A_257 = arith.addi %add3A_250, %add3A_256 : i32
    %get3A_258 = arith.index_cast %add3A_257 : i32 to index
    %get3A_259 = tpu.vector_load %arg6[%get3A_258] {strides = array<i32>} : memref<528xi32, #tpu.memory_space<vmem>>, vector<16xi32>,
    %get3A_260 = vector.shape_cast %get3A_259 : vector<16xi32> to vector<16xi32>
    %lt3A_261 = vector.broadcast %add3A_85 : i32 to vector<16xi32>
    %lt3A_262 = arith.cmpi slt, %add3A_252, %lt3A_261 : vector<16xi32>
    %select_n3A_263 = arith.select %lt3A_262, %get3A_255, %get3A_260 : vector<16xi1>, vector<16xi32>
    %jit3A_264 = arith.constant 0 : i32
    %jit3A_265 = arith.constant 31999 : i32
    %max3A_266 = vector.broadcast %jit3A_264 : i32 to vector<16xi32>
    %max3A_267 = arith.maxsi %max3A_266, %select_n3A_263 : vector<16xi32>
    %min3A_268 = vector.broadcast %jit3A_265 : i32 to vector<16xi32>
    %min3A_269 = arith.minsi %min3A_268, %max3A_267 : vector<16xi32>
    %mul3A_270 = arith.constant 768 : i32
    %mul3A_271 = arith.muli %select_n3A, %mul3A_270 : i32
    %add3A_272 = arith.constant 256 : i32
    %add3A_273 = vector.broadcast %add3A_272 : i32 to vector<16xi32>
    %add3A_274 = arith.addi %add3A_252, %add3A_273 : vector<16xi32>
    %select_n3A_275 = arith.select %lt3A_262, %add3A_252, %add3A_274 : vector<16xi1>, vector<16xi32>
    %add3A_276 = vector.broadcast %mul3A_271 : i32 to vector<16xi32>
    %add3A_277 = arith.addi %add3A_276, %select_n3A_275 : vector<16xi32>
    %swap3A_278 = arith.constant 1 : i32
    %swap3A_279 = arith.index_cast %swap3A_278 : i32 to index
    %swap3A_280 = arith.constant 0 : index
    %swap3A_281 = tpu.vector_load %arg8[%swap3A_279, %swap3A_280] {strides = array<i32>} : memref<2x64xi32, #tpu.memory_space<vmem>>, vector<1x16xi32>,
    %swap3A_282 = vector.shape_cast %swap3A_281 : vector<1x16xi32> to vector<16xi32>
    %swap3A_283 = vector.shape_cast %min3A_269 : vector<16xi32> to vector<1x16xi32>
    tpu.vector_store %arg8[%swap3A_279, %swap3A_280], %swap3A_283 {strides = array<i32>} : memref<2x64xi32, #tpu.memory_space<vmem>>, vector<1x16xi32>,
    %swap3A_284 = arith.constant 1 : i32
    %swap3A_285 = arith.index_cast %swap3A_284 : i32 to index
    %swap3A_286 = arith.constant 0 : index
    %swap3A_287 = tpu.vector_load %arg9[%swap3A_285, %swap3A_286] {strides = array<i32>} : memref<2x64xi32, #tpu.memory_space<vmem>>, vector<1x16xi32>,
    %swap3A_288 = vector.shape_cast %swap3A_287 : vector<1x16xi32> to vector<16xi32>
    %swap3A_289 = vector.shape_cast %add3A_277 : vector<16xi32> to vector<1x16xi32>
    tpu.vector_store %arg9[%swap3A_285, %swap3A_286], %swap3A_289 {strides = array<i32>} : memref<2x64xi32, #tpu.memory_space<vmem>>, vector<1x16xi32>,
    %add3A_290 = arith.constant 80 : i32
    %add3A_291 = arith.addi %mul3A_87, %add3A_290 : i32
    %add3A_292 = vector.broadcast %add3A_291 : i32 to vector<16xi32>
    %add3A_293 = arith.addi %add3A_292, %iota3A : vector<16xi32>
    %get3A_294 = arith.index_cast %add3A_291 : i32 to index
    %get3A_295 = tpu.vector_load %arg6[%get3A_294] {strides = array<i32>} : memref<528xi32, #tpu.memory_space<vmem>>, vector<16xi32>,
    %get3A_296 = vector.shape_cast %get3A_295 : vector<16xi32> to vector<16xi32>
    %add3A_297 = arith.constant 1 : i32
    %add3A_298 = arith.addi %add3A_291, %add3A_297 : i32
    %get3A_299 = arith.index_cast %add3A_298 : i32 to index
    %get3A_300 = tpu.vector_load %arg6[%get3A_299] {strides = array<i32>} : memref<528xi32, #tpu.memory_space<vmem>>, vector<16xi32>,
    %get3A_301 = vector.shape_cast %get3A_300 : vector<16xi32> to vector<16xi32>
    %lt3A_302 = vector.broadcast %add3A_85 : i32 to vector<16xi32>
    %lt3A_303 = arith.cmpi slt, %add3A_293, %lt3A_302 : vector<16xi32>
    %select_n3A_304 = arith.select %lt3A_303, %get3A_296, %get3A_301 : vector<16xi1>, vector<16xi32>
    %jit3A_305 = arith.constant 0 : i32
    %jit3A_306 = arith.constant 31999 : i32
    %max3A_307 = vector.broadcast %jit3A_305 : i32 to vector<16xi32>
    %max3A_308 = arith.maxsi %max3A_307, %select_n3A_304 : vector<16xi32>
    %min3A_309 = vector.broadcast %jit3A_306 : i32 to vector<16xi32>
    %min3A_310 = arith.minsi %min3A_309, %max3A_308 : vector<16xi32>
    %mul3A_311 = arith.constant 768 : i32
    %mul3A_312 = arith.muli %select_n3A, %mul3A_311 : i32
    %add3A_313 = arith.constant 256 : i32
    %add3A_314 = vector.broadcast %add3A_313 : i32 to vector<16xi32>
    %add3A_315 = arith.addi %add3A_293, %add3A_314 : vector<16xi32>
    %select_n3A_316 = arith.select %lt3A_303, %add3A_293, %add3A_315 : vector<16xi1>, vector<16xi32>
    %add3A_317 = vector.broadcast %mul3A_312 : i32 to vector<16xi32>
    %add3A_318 = arith.addi %add3A_317, %select_n3A_316 : vector<16xi32>
    %swap3A_319 = arith.constant 1 : i32
    %swap3A_320 = arith.index_cast %swap3A_319 : i32 to index
    %swap3A_321 = arith.constant 16 : index
    %swap3A_322 = tpu.vector_load %arg8[%swap3A_320, %swap3A_321] {strides = array<i32>} : memref<2x64xi32, #tpu.memory_space<vmem>>, vector<1x16xi32>,
    %swap3A_323 = vector.shape_cast %swap3A_322 : vector<1x16xi32> to vector<16xi32>
    %swap3A_324 = vector.shape_cast %min3A_310 : vector<16xi32> to vector<1x16xi32>
    tpu.vector_store %arg8[%swap3A_320, %swap3A_321], %swap3A_324 {strides = array<i32>} : memref<2x64xi32, #tpu.memory_space<vmem>>, vector<1x16xi32>,
    %swap3A_325 = arith.constant 1 : i32
    %swap3A_326 = arith.index_cast %swap3A_325 : i32 to index
    %swap3A_327 = arith.constant 16 : index
    %swap3A_328 = tpu.vector_load %arg9[%swap3A_326, %swap3A_327] {strides = array<i32>} : memref<2x64xi32, #tpu.memory_space<vmem>>, vector<1x16xi32>,
    %swap3A_329 = vector.shape_cast %swap3A_328 : vector<1x16xi32> to vector<16xi32>
    %swap3A_330 = vector.shape_cast %add3A_318 : vector<16xi32> to vector<1x16xi32>
    tpu.vector_store %arg9[%swap3A_326, %swap3A_327], %swap3A_330 {strides = array<i32>} : memref<2x64xi32, #tpu.memory_space<vmem>>, vector<1x16xi32>,
    %add3A_331 = arith.constant 96 : i32
    %add3A_332 = arith.addi %mul3A_87, %add3A_331 : i32
    %add3A_333 = vector.broadcast %add3A_332 : i32 to vector<16xi32>
    %add3A_334 = arith.addi %add3A_333, %iota3A : vector<16xi32>
    %get3A_335 = arith.index_cast %add3A_332 : i32 to index
    %get3A_336 = tpu.vector_load %arg6[%get3A_335] {strides = array<i32>} : memref<528xi32, #tpu.memory_space<vmem>>, vector<16xi32>,
    %get3A_337 = vector.shape_cast %get3A_336 : vector<16xi32> to vector<16xi32>
    %add3A_338 = arith.constant 1 : i32
    %add3A_339 = arith.addi %add3A_332, %add3A_338 : i32
    %get3A_340 = arith.index_cast %add3A_339 : i32 to index
    %get3A_341 = tpu.vector_load %arg6[%get3A_340] {strides = array<i32>} : memref<528xi32, #tpu.memory_space<vmem>>, vector<16xi32>,
    %get3A_342 = vector.shape_cast %get3A_341 : vector<16xi32> to vector<16xi32>
    %lt3A_343 = vector.broadcast %add3A_85 : i32 to vector<16xi32>
    %lt3A_344 = arith.cmpi slt, %add3A_334, %lt3A_343 : vector<16xi32>
    %select_n3A_345 = arith.select %lt3A_344, %get3A_337, %get3A_342 : vector<16xi1>, vector<16xi32>
    %jit3A_346 = arith.constant 0 : i32
    %jit3A_347 = arith.constant 31999 : i32
    %max3A_348 = vector.broadcast %jit3A_346 : i32 to vector<16xi32>
    %max3A_349 = arith.maxsi %max3A_348, %select_n3A_345 : vector<16xi32>
    %min3A_350 = vector.broadcast %jit3A_347 : i32 to vector<16xi32>
    %min3A_351 = arith.minsi %min3A_350, %max3A_349 : vector<16xi32>
    %mul3A_352 = arith.constant 768 : i32
    %mul3A_353 = arith.muli %select_n3A, %mul3A_352 : i32
    %add3A_354 = arith.constant 256 : i32
    %add3A_355 = vector.broadcast %add3A_354 : i32 to vector<16xi32>
    %add3A_356 = arith.addi %add3A_334, %add3A_355 : vector<16xi32>
    %select_n3A_357 = arith.select %lt3A_344, %add3A_334, %add3A_356 : vector<16xi1>, vector<16xi32>
    %add3A_358 = vector.broadcast %mul3A_353 : i32 to vector<16xi32>
    %add3A_359 = arith.addi %add3A_358, %select_n3A_357 : vector<16xi32>
    %swap3A_360 = arith.constant 1 : i32
    %swap3A_361 = arith.index_cast %swap3A_360 : i32 to index
    %swap3A_362 = arith.constant 32 : index
    %swap3A_363 = tpu.vector_load %arg8[%swap3A_361, %swap3A_362] {strides = array<i32>} : memref<2x64xi32, #tpu.memory_space<vmem>>, vector<1x16xi32>,
    %swap3A_364 = vector.shape_cast %swap3A_363 : vector<1x16xi32> to vector<16xi32>
    %swap3A_365 = vector.shape_cast %min3A_351 : vector<16xi32> to vector<1x16xi32>
    tpu.vector_store %arg8[%swap3A_361, %swap3A_362], %swap3A_365 {strides = array<i32>} : memref<2x64xi32, #tpu.memory_space<vmem>>, vector<1x16xi32>,
    %swap3A_366 = arith.constant 1 : i32
    %swap3A_367 = arith.index_cast %swap3A_366 : i32 to index
    %swap3A_368 = arith.constant 32 : index
    %swap3A_369 = tpu.vector_load %arg9[%swap3A_367, %swap3A_368] {strides = array<i32>} : memref<2x64xi32, #tpu.memory_space<vmem>>, vector<1x16xi32>,
    %swap3A_370 = vector.shape_cast %swap3A_369 : vector<1x16xi32> to vector<16xi32>
    %swap3A_371 = vector.shape_cast %add3A_359 : vector<16xi32> to vector<1x16xi32>
    tpu.vector_store %arg9[%swap3A_367, %swap3A_368], %swap3A_371 {strides = array<i32>} : memref<2x64xi32, #tpu.memory_space<vmem>>, vector<1x16xi32>,
    %add3A_372 = arith.constant 112 : i32
    %add3A_373 = arith.addi %mul3A_87, %add3A_372 : i32
    %add3A_374 = vector.broadcast %add3A_373 : i32 to vector<16xi32>
    %add3A_375 = arith.addi %add3A_374, %iota3A : vector<16xi32>
    %get3A_376 = arith.index_cast %add3A_373 : i32 to index
    %get3A_377 = tpu.vector_load %arg6[%get3A_376] {strides = array<i32>} : memref<528xi32, #tpu.memory_space<vmem>>, vector<16xi32>,
    %get3A_378 = vector.shape_cast %get3A_377 : vector<16xi32> to vector<16xi32>
    %add3A_379 = arith.constant 1 : i32
    %add3A_380 = arith.addi %add3A_373, %add3A_379 : i32
    %get3A_381 = arith.index_cast %add3A_380 : i32 to index
    %get3A_382 = tpu.vector_load %arg6[%get3A_381] {strides = array<i32>} : memref<528xi32, #tpu.memory_space<vmem>>, vector<16xi32>,
    %get3A_383 = vector.shape_cast %get3A_382 : vector<16xi32> to vector<16xi32>
    %lt3A_384 = vector.broadcast %add3A_85 : i32 to vector<16xi32>
    %lt3A_385 = arith.cmpi slt, %add3A_375, %lt3A_384 : vector<16xi32>
    %select_n3A_386 = arith.select %lt3A_385, %get3A_378, %get3A_383 : vector<16xi1>, vector<16xi32>
    %jit3A_387 = arith.constant 0 : i32
    %jit3A_388 = arith.constant 31999 : i32
    %max3A_389 = vector.broadcast %jit3A_387 : i32 to vector<16xi32>
    %max3A_390 = arith.maxsi %max3A_389, %select_n3A_386 : vector<16xi32>
    %min3A_391 = vector.broadcast %jit3A_388 : i32 to vector<16xi32>
    %min3A_392 = arith.minsi %min3A_391, %max3A_390 : vector<16xi32>
    %mul3A_393 = arith.constant 768 : i32
    %mul3A_394 = arith.muli %select_n3A, %mul3A_393 : i32
    %add3A_395 = arith.constant 256 : i32
    %add3A_396 = vector.broadcast %add3A_395 : i32 to vector<16xi32>
    %add3A_397 = arith.addi %add3A_375, %add3A_396 : vector<16xi32>
    %select_n3A_398 = arith.select %lt3A_385, %add3A_375, %add3A_397 : vector<16xi1>, vector<16xi32>
    %add3A_399 = vector.broadcast %mul3A_394 : i32 to vector<16xi32>
    %add3A_400 = arith.addi %add3A_399, %select_n3A_398 : vector<16xi32>
    %swap3A_401 = arith.constant 1 : i32
    %swap3A_402 = arith.index_cast %swap3A_401 : i32 to index
    %swap3A_403 = arith.constant 48 : index
    %swap3A_404 = tpu.vector_load %arg8[%swap3A_402, %swap3A_403] {strides = array<i32>} : memref<2x64xi32, #tpu.memory_space<vmem>>, vector<1x16xi32>,
    %swap3A_405 = vector.shape_cast %swap3A_404 : vector<1x16xi32> to vector<16xi32>
    %swap3A_406 = vector.shape_cast %min3A_392 : vector<16xi32> to vector<1x16xi32>
    tpu.vector_store %arg8[%swap3A_402, %swap3A_403], %swap3A_406 {strides = array<i32>} : memref<2x64xi32, #tpu.memory_space<vmem>>, vector<1x16xi32>,
    %swap3A_407 = arith.constant 1 : i32
    %swap3A_408 = arith.index_cast %swap3A_407 : i32 to index
    %swap3A_409 = arith.constant 48 : index
    %swap3A_410 = tpu.vector_load %arg9[%swap3A_408, %swap3A_409] {strides = array<i32>} : memref<2x64xi32, #tpu.memory_space<vmem>>, vector<1x16xi32>,
    %swap3A_411 = vector.shape_cast %swap3A_410 : vector<1x16xi32> to vector<16xi32>
    %swap3A_412 = vector.shape_cast %add3A_400 : vector<16xi32> to vector<1x16xi32>
    tpu.vector_store %arg9[%swap3A_408, %swap3A_409], %swap3A_412 {strides = array<i32>} : memref<2x64xi32, #tpu.memory_space<vmem>>, vector<1x16xi32>,
    %dma_start3A = arith.constant 0 : i32
    %dma_start3A_413 = arith.constant 0 : i32
    %dma_start3A_414 = tpu.memref_slice %arg8[%dma_start3A, %dma_start3A_413] : memref<2x64xi32, #tpu.memory_space<vmem>> -> memref<1x64xi32, #tpu.memory_space<vmem>>
    %dma_start3A_415 = tpu.memref_squeeze %dma_start3A_414 : memref<1x64xi32, #tpu.memory_space<vmem>> -> memref<64xi32, #tpu.memory_space<vmem>>
    %dma_start3A_416 = arith.constant 0 : i32
    %dma_start3A_417 = arith.constant 0 : i32
    %dma_start3A_418 = tpu.memref_slice %arg4[%dma_start3A_416, %dma_start3A_417] : memref<32000x1024xf32, #tpu.memory_space<hbm>> -> memref<32000x1024xf32, #tpu.memory_space<hbm>>
    tpu.enqueue_indirect_dma source(%dma_start3A_418 : memref<32000x1024xf32, #tpu.memory_space<hbm>>) target(%arg10 : memref<64x1024xf32, #tpu.memory_space<vmem>>) offsets(%dma_start3A_415 : memref<64xi32, #tpu.memory_space<vmem>>) semaphore(%arg11 : memref<!tpu.dma_semaphore, #tpu.memory_space<semaphore_mem>>)
    %dma_wait3A = arith.constant 0 : i32
    %dma_wait3A_419 = arith.constant 0 : i32
    %dma_wait3A_420 = tpu.memref_slice %arg8[%dma_wait3A, %dma_wait3A_419] : memref<2x64xi32, #tpu.memory_space<vmem>> -> memref<1x64xi32, #tpu.memory_space<vmem>>
    %dma_wait3A_421 = tpu.memref_squeeze %dma_wait3A_420 : memref<1x64xi32, #tpu.memory_space<vmem>> -> memref<64xi32, #tpu.memory_space<vmem>>
    %dma_wait3A_422 = arith.constant 0 : i32
    %dma_wait3A_423 = arith.constant 0 : i32
    %dma_wait3A_424 = tpu.memref_slice %arg4[%dma_wait3A_422, %dma_wait3A_423] : memref<32000x1024xf32, #tpu.memory_space<hbm>> -> memref<32000x1024xf32, #tpu.memory_space<hbm>>
    tpu.wait_indirect_dma semaphore(%arg11 : memref<!tpu.dma_semaphore, #tpu.memory_space<semaphore_mem>>) src(%dma_wait3A_424 : memref<32000x1024xf32, #tpu.memory_space<hbm>>) dst(%arg10 : memref<64x1024xf32, #tpu.memory_space<vmem>>)
    %dma_start3A_425 = arith.constant 0 : i32
    %dma_start3A_426 = arith.constant 0 : i32
    %dma_start3A_427 = tpu.memref_slice %arg9[%dma_start3A_425, %dma_start3A_426] : memref<2x64xi32, #tpu.memory_space<vmem>> -> memref<1x64xi32, #tpu.memory_space<vmem>>
    %dma_start3A_428 = tpu.memref_squeeze %dma_start3A_427 : memref<1x64xi32, #tpu.memory_space<vmem>> -> memref<64xi32, #tpu.memory_space<vmem>>
    %dma_start3A_429 = arith.constant 0 : i32
    %dma_start3A_430 = arith.constant 0 : i32
    %dma_start3A_431 = tpu.memref_slice %arg5[%dma_start3A_429, %dma_start3A_430] : memref<6144x1024xf32, #tpu.memory_space<hbm>> -> memref<6144x1024xf32, #tpu.memory_space<hbm>>
    tpu.enqueue_indirect_dma source(%arg10 : memref<64x1024xf32, #tpu.memory_space<vmem>>) target(%dma_start3A_431 : memref<6144x1024xf32, #tpu.memory_space<hbm>>) offsets(%dma_start3A_428 : memref<64xi32, #tpu.memory_space<vmem>>) semaphore(%arg11 : memref<!tpu.dma_semaphore, #tpu.memory_space<semaphore_mem>>)
    %dma_wait3A_432 = arith.constant 0 : i32
    %dma_wait3A_433 = arith.constant 0 : i32
    %dma_wait3A_434 = tpu.memref_slice %arg9[%dma_wait3A_432, %dma_wait3A_433] : memref<2x64xi32, #tpu.memory_space<vmem>> -> memref<1x64xi32, #tpu.memory_space<vmem>>
    %dma_wait3A_435 = tpu.memref_squeeze %dma_wait3A_434 : memref<1x64xi32, #tpu.memory_space<vmem>> -> memref<64xi32, #tpu.memory_space<vmem>>
    %dma_wait3A_436 = arith.constant 0 : i32
    %dma_wait3A_437 = arith.constant 0 : i32
    %dma_wait3A_438 = tpu.memref_slice %arg5[%dma_wait3A_436, %dma_wait3A_437] : memref<6144x1024xf32, #tpu.memory_space<hbm>> -> memref<6144x1024xf32, #tpu.memory_space<hbm>>
    tpu.wait_indirect_dma semaphore(%arg11 : memref<!tpu.dma_semaphore, #tpu.memory_space<semaphore_mem>>) src(%arg10 : memref<64x1024xf32, #tpu.memory_space<vmem>>) dst(%dma_wait3A_438 : memref<6144x1024xf32, #tpu.memory_space<hbm>>)
    %dma_start3A_439 = arith.constant 1 : i32
    %dma_start3A_440 = arith.constant 0 : i32
    %dma_start3A_441 = tpu.memref_slice %arg8[%dma_start3A_439, %dma_start3A_440] : memref<2x64xi32, #tpu.memory_space<vmem>> -> memref<1x64xi32, #tpu.memory_space<vmem>>
    %dma_start3A_442 = tpu.memref_squeeze %dma_start3A_441 : memref<1x64xi32, #tpu.memory_space<vmem>> -> memref<64xi32, #tpu.memory_space<vmem>>
    %dma_start3A_443 = arith.constant 0 : i32
    %dma_start3A_444 = arith.constant 0 : i32
    %dma_start3A_445 = tpu.memref_slice %arg4[%dma_start3A_443, %dma_start3A_444] : memref<32000x1024xf32, #tpu.memory_space<hbm>> -> memref<32000x1024xf32, #tpu.memory_space<hbm>>
    tpu.enqueue_indirect_dma source(%dma_start3A_445 : memref<32000x1024xf32, #tpu.memory_space<hbm>>) target(%arg10 : memref<64x1024xf32, #tpu.memory_space<vmem>>) offsets(%dma_start3A_442 : memref<64xi32, #tpu.memory_space<vmem>>) semaphore(%arg11 : memref<!tpu.dma_semaphore, #tpu.memory_space<semaphore_mem>>)
    %dma_wait3A_446 = arith.constant 1 : i32
    %dma_wait3A_447 = arith.constant 0 : i32
    %dma_wait3A_448 = tpu.memref_slice %arg8[%dma_wait3A_446, %dma_wait3A_447] : memref<2x64xi32, #tpu.memory_space<vmem>> -> memref<1x64xi32, #tpu.memory_space<vmem>>
    %dma_wait3A_449 = tpu.memref_squeeze %dma_wait3A_448 : memref<1x64xi32, #tpu.memory_space<vmem>> -> memref<64xi32, #tpu.memory_space<vmem>>
    %dma_wait3A_450 = arith.constant 0 : i32
    %dma_wait3A_451 = arith.constant 0 : i32
    %dma_wait3A_452 = tpu.memref_slice %arg4[%dma_wait3A_450, %dma_wait3A_451] : memref<32000x1024xf32, #tpu.memory_space<hbm>> -> memref<32000x1024xf32, #tpu.memory_space<hbm>>
    tpu.wait_indirect_dma semaphore(%arg11 : memref<!tpu.dma_semaphore, #tpu.memory_space<semaphore_mem>>) src(%dma_wait3A_452 : memref<32000x1024xf32, #tpu.memory_space<hbm>>) dst(%arg10 : memref<64x1024xf32, #tpu.memory_space<vmem>>)
    %dma_start3A_453 = arith.constant 1 : i32
    %dma_start3A_454 = arith.constant 0 : i32
    %dma_start3A_455 = tpu.memref_slice %arg9[%dma_start3A_453, %dma_start3A_454] : memref<2x64xi32, #tpu.memory_space<vmem>> -> memref<1x64xi32, #tpu.memory_space<vmem>>
    %dma_start3A_456 = tpu.memref_squeeze %dma_start3A_455 : memref<1x64xi32, #tpu.memory_space<vmem>> -> memref<64xi32, #tpu.memory_space<vmem>>
    %dma_start3A_457 = arith.constant 0 : i32
    %dma_start3A_458 = arith.constant 0 : i32
    %dma_start3A_459 = tpu.memref_slice %arg5[%dma_start3A_457, %dma_start3A_458] : memref<6144x1024xf32, #tpu.memory_space<hbm>> -> memref<6144x1024xf32, #tpu.memory_space<hbm>>
    tpu.enqueue_indirect_dma source(%arg10 : memref<64x1024xf32, #tpu.memory_space<vmem>>) target(%dma_start3A_459 : memref<6144x1024xf32, #tpu.memory_space<hbm>>) offsets(%dma_start3A_456 : memref<64xi32, #tpu.memory_space<vmem>>) semaphore(%arg11 : memref<!tpu.dma_semaphore, #tpu.memory_space<semaphore_mem>>)
    %dma_wait3A_460 = arith.constant 1 : i32
    %dma_wait3A_461 = arith.constant 0 : i32
    %dma_wait3A_462 = tpu.memref_slice %arg9[%dma_wait3A_460, %dma_wait3A_461] : memref<2x64xi32, #tpu.memory_space<vmem>> -> memref<1x64xi32, #tpu.memory_space<vmem>>
    %dma_wait3A_463 = tpu.memref_squeeze %dma_wait3A_462 : memref<1x64xi32, #tpu.memory_space<vmem>> -> memref<64xi32, #tpu.memory_space<vmem>>
    %dma_wait3A_464 = arith.constant 0 : i32
    %dma_wait3A_465 = arith.constant 0 : i32
    %dma_wait3A_466 = tpu.memref_slice %arg5[%dma_wait3A_464, %dma_wait3A_465] : memref<6144x1024xf32, #tpu.memory_space<hbm>> -> memref<6144x1024xf32, #tpu.memory_space<hbm>>
    tpu.wait_indirect_dma semaphore(%arg11 : memref<!tpu.dma_semaphore, #tpu.memory_space<semaphore_mem>>) src(%arg10 : memref<64x1024xf32, #tpu.memory_space<vmem>>) dst(%dma_wait3A_466 : memref<6144x1024xf32, #tpu.memory_space<hbm>>)
    return
  }
}

module attributes {stable_mosaic.version = 14 : i64} {
  func.func @_emb_body(%arg0: i32, %arg1: memref<1x256x1024xf32, #tpu.memory_space<vmem>>, %arg2: memref<1024x1024xf32, #tpu.memory_space<vmem>>, %arg3: memref<1x1024xf32, #tpu.memory_space<vmem>>, %arg4: memref<1x768x1024xf32, #tpu.memory_space<vmem>>, %arg5: memref<1x1x512xi32, #tpu.memory_space<vmem>>, %arg6: memref<1x1xi32, #tpu.memory_space<vmem>>, %arg7: memref<1x767x1024xf32, #tpu.memory_space<vmem>>) attributes {dimension_semantics = [#tpu.dimension_semantics<arbitrary>], iteration_bounds = array<i64: 8>, scalar_prefetch = 0 : i64, scratch_operands = 0 : i64, tpu.core_type = #tpu.core_type<tc>, window_params = [{transform_indices = @transform_0, window_bounds = array<i64: 1, 256, 1024>}, {pipeline_mode = #tpu.pipeline_mode<synchronous>, transform_indices = @transform_1, window_bounds = array<i64: 1024, 1024>}, {pipeline_mode = #tpu.pipeline_mode<synchronous>, transform_indices = @transform_2, window_bounds = array<i64: 1, 1024>}, {transform_indices = @transform_3, window_bounds = array<i64: 1, 768, 1024>}, {transform_indices = @transform_4, window_bounds = array<i64: 1, 1, 512>}, {pipeline_mode = #tpu.pipeline_mode<synchronous>, transform_indices = @transform_5, window_bounds = array<i64: 1, 1>}, {transform_indices = @transform_6, window_bounds = array<i64: 1, 767, 1024>}]} {
    %get3A = arith.constant 0 : index
    %get3A_0 = arith.constant 0 : index
    %get3A_1 = arith.constant 0 : index
    %get3A_2 = vector.load %arg5[%get3A, %get3A_0, %get3A_1] : memref<1x1x512xi32, #tpu.memory_space<vmem>>, vector<1x1x512xi32>
    %get3A_3 = arith.constant 0 : index
    %get3A_4 = arith.constant 0 : index
    %get3A_5 = vector.load %arg6[%get3A_3, %get3A_4] : memref<1x1xi32, #tpu.memory_space<vmem>>, vector<1x1xi32>
    %get3A_6 = vector.extract %get3A_5[0, 0] : i32 from vector<1x1xi32>
    %iota3A = tpu.iota {dimensions = array<i32: 2>} : vector<1x1x512xi32>
    %eq3A = vector.broadcast %get3A_6 : i32 to vector<1x1x512xi32>
    %eq3A_7 = arith.cmpi eq, %get3A_2, %eq3A : vector<1x1x512xi32>
    %jit3A = arith.constant -1 : i32
    %broadcast_in_dim3A = vector.broadcast %jit3A : i32 to vector<1x1x512xi32>
    %select_n3A = arith.select %eq3A_7, %iota3A, %broadcast_in_dim3A : vector<1x1x512xi1>, vector<1x1x512xi32>
    %reduce_max3A = vector.shape_cast %select_n3A : vector<1x1x512xi32> to vector<1x1x1x512xi32>
    %reduce_max3A_8 = arith.constant dense<-2147483648> : vector<1xi32>
    %reduce_max3A_9 = vector.multi_reduction <maxsi>, %reduce_max3A, %reduce_max3A_8 [1, 2, 3] : vector<1x1x1x512xi32> to vector<1xi32>
    %reduce_max3A_10 = vector.shape_cast %reduce_max3A_9 : vector<1xi32> to vector<1x1x1x1xi32>
    %reduce_max3A_11 = vector.extract %reduce_max3A_10[0, 0, 0, 0] : i32 from vector<1x1x1x1xi32>
    %get3A_12 = arith.constant 0 : index
    %get3A_13 = arith.constant 0 : index
    %get3A_14 = arith.constant 0 : index
    %get3A_15 = vector.load %arg1[%get3A_12, %get3A_13, %get3A_14] : memref<1x256x1024xf32, #tpu.memory_space<vmem>>, vector<1x256x1024xf32>
    %get3A_16 = vector.shape_cast %get3A_15 : vector<1x256x1024xf32> to vector<256x1024xf32>
    %convert_element_type3A = arith.truncf %get3A_16 : vector<256x1024xf32> to vector<256x1024xbf16>
    %get3A_17 = arith.constant 0 : index
    %get3A_18 = arith.constant 0 : index
    %get3A_19 = vector.load %arg2[%get3A_17, %get3A_18] : memref<1024x1024xf32, #tpu.memory_space<vmem>>, vector<1024x1024xf32>
    %convert_element_type3A_20 = arith.truncf %get3A_19 : vector<1024x1024xf32> to vector<1024x1024xbf16>
    %dot_general3A = arith.constant dense<0.000000e+00> : vector<256x1024xf32>
    %dot_general3A_21 = tpu.matmul %convert_element_type3A, %convert_element_type3A_20, %dot_general3A {dimension_numbers = #tpu.dot_dimension_numbers<[1], [0], [0], [1], [0, 0, 1, 1], [], []>, transpose_lhs_hint = false} : vector<256x1024xbf16>, vector<1024x1024xbf16>, vector<256x1024xf32> -> vector<256x1024xf32>
    %get3A_22 = arith.constant 0 : index
    %get3A_23 = arith.constant 0 : index
    %get3A_24 = vector.load %arg3[%get3A_22, %get3A_23] : memref<1x1024xf32, #tpu.memory_space<vmem>>, vector<1x1024xf32>
    %add3A = vector.broadcast %get3A_24 : vector<1x1024xf32> to vector<256x1024xf32>
    %add3A_25 = arith.addf %dot_general3A_21, %add3A : vector<256x1024xf32>
    %iota3A_26 = tpu.iota {dimensions = array<i32: 0>} : vector<767x1xi32>
    %iota3A_27 = tpu.iota {dimensions = array<i32: 1>} : vector<767x256xi32>
    %sub3A = vector.broadcast %iota3A_26 : vector<767x1xi32> to vector<767x256xi32>
    %sub3A_28 = arith.subi %sub3A, %iota3A_27 : vector<767x256xi32>
    %eq3A_29 = vector.broadcast %reduce_max3A_11 : i32 to vector<767x256xi32>
    %eq3A_30 = arith.cmpi eq, %sub3A_28, %eq3A_29 : vector<767x256xi32>
    %convert_element_type3A_31 = arith.extui %eq3A_30 : vector<767x256xi1> to vector<767x256xi32>
    %convert_element_type3A_32 = arith.sitofp %convert_element_type3A_31 : vector<767x256xi32> to vector<767x256xf32>
    %dot_general3A_33 = arith.constant dense<0.000000e+00> : vector<767x1024xf32>
    %dot_general3A_34 = tpu.matmul %convert_element_type3A_32, %add3A_25, %dot_general3A_33 {dimension_numbers = #tpu.dot_dimension_numbers<[1], [0], [0], [1], [0, 0, 1, 1], [], []>, transpose_lhs_hint = false} : vector<767x256xf32>, vector<256x1024xf32>, vector<767x1024xf32> -> vector<767x1024xf32>
    %ge3A = vector.broadcast %reduce_max3A_11 : i32 to vector<767x1xi32>
    %ge3A_35 = arith.cmpi sge, %iota3A_26, %ge3A : vector<767x1xi32>
    %add3A_36 = arith.constant 256 : i32
    %add3A_37 = arith.addi %reduce_max3A_11, %add3A_36 : i32
    %lt3A = vector.broadcast %add3A_37 : i32 to vector<767x1xi32>
    %lt3A_38 = arith.cmpi slt, %iota3A_26, %lt3A : vector<767x1xi32>
    %and3A = arith.andi %ge3A_35, %lt3A_38 : vector<767x1xi1>
    %get3A_39 = arith.constant 0 : index
    %get3A_40 = arith.constant 0 : index
    %get3A_41 = arith.constant 0 : index
    %get3A_42 = vector.load %arg4[%get3A_39, %get3A_40, %get3A_41] : memref<1x768x1024xf32, #tpu.memory_space<vmem>>, vector<1x767x1024xf32>
    %get3A_43 = vector.shape_cast %get3A_42 : vector<1x767x1024xf32> to vector<767x1024xf32>
    %broadcast_in_dim3A_44 = vector.shape_cast %and3A : vector<767x1xi1> to vector<767x1xi1>
    %broadcast_in_dim3A_45 = vector.broadcast %broadcast_in_dim3A_44 : vector<767x1xi1> to vector<767x1024xi1>
    %select_n3A_46 = arith.select %broadcast_in_dim3A_45, %dot_general3A_34, %get3A_43 : vector<767x1024xi1>, vector<767x1024xf32>
    %swap3A = arith.constant 0 : index
    %swap3A_47 = arith.constant 0 : index
    %swap3A_48 = arith.constant 0 : index
    %swap3A_49 = vector.load %arg7[%swap3A, %swap3A_47, %swap3A_48] : memref<1x767x1024xf32, #tpu.memory_space<vmem>>, vector<1x767x1024xf32>
    %swap3A_50 = vector.shape_cast %swap3A_49 : vector<1x767x1024xf32> to vector<767x1024xf32>
    %swap3A_51 = vector.shape_cast %select_n3A_46 : vector<767x1024xf32> to vector<1x767x1024xf32>
    tpu.vector_store %arg7[%swap3A, %swap3A_47, %swap3A_48], %swap3A_51 {strides = array<i32>} : memref<1x767x1024xf32, #tpu.memory_space<vmem>>, vector<1x767x1024xf32>,
    return
  }
  func.func @transform_0(%arg0: i32) -> (i32, i32, i32) {
    %c0_i32 = arith.constant 0 : i32
    %c0_i32_0 = arith.constant 0 : i32
    %c0_i32_1 = arith.constant 0 : i32
    return %arg0, %c0_i32, %c0_i32_0 : i32, i32, i32
  }
  func.func @transform_1(%arg0: i32) -> (i32, i32) {
    %c0_i32 = arith.constant 0 : i32
    %c0_i32_0 = arith.constant 0 : i32
    %c0_i32_1 = arith.constant 0 : i32
    return %c0_i32, %c0_i32_0 : i32, i32
  }
  func.func @transform_2(%arg0: i32) -> (i32, i32) {
    %c0_i32 = arith.constant 0 : i32
    %c0_i32_0 = arith.constant 0 : i32
    %c0_i32_1 = arith.constant 0 : i32
    return %c0_i32, %c0_i32_0 : i32, i32
  }
  func.func @transform_3(%arg0: i32) -> (i32, i32, i32) {
    %c0_i32 = arith.constant 0 : i32
    %c0_i32_0 = arith.constant 0 : i32
    %c0_i32_1 = arith.constant 0 : i32
    return %arg0, %c0_i32, %c0_i32_0 : i32, i32, i32
  }
  func.func @transform_4(%arg0: i32) -> (i32, i32, i32) {
    %c0_i32 = arith.constant 0 : i32
    %c0_i32_0 = arith.constant 0 : i32
    %c0_i32_1 = arith.constant 0 : i32
    return %arg0, %c0_i32, %c0_i32_0 : i32, i32, i32
  }
  func.func @transform_5(%arg0: i32) -> (i32, i32) {
    %c0_i32 = arith.constant 0 : i32
    %c0_i32_0 = arith.constant 0 : i32
    %c0_i32_1 = arith.constant 0 : i32
    return %c0_i32, %c0_i32_0 : i32, i32
  }
  func.func @transform_6(%arg0: i32) -> (i32, i32, i32) {
    %c0_i32 = arith.constant 0 : i32
    %c0_i32_0 = arith.constant 0 : i32
    %c0_i32_1 = arith.constant 0 : i32
    return %arg0, %c0_i32, %c0_i32_0 : i32, i32, i32
  }
}

module attributes {stable_mosaic.version = 14 : i64} {
  func.func @_mask_body(%arg0: i32, %arg1: memref<1x1x512xi32, #tpu.memory_space<vmem>>, %arg2: memref<1x1xi32, #tpu.memory_space<vmem>>, %arg3: memref<1x1x767x767xf32, #tpu.memory_space<vmem>>) attributes {dimension_semantics = [#tpu.dimension_semantics<arbitrary>], iteration_bounds = array<i64: 8>, scalar_prefetch = 0 : i64, scratch_operands = 0 : i64, tpu.core_type = #tpu.core_type<tc>, window_params = [{transform_indices = @transform_0, window_bounds = array<i64: 1, 1, 512>}, {pipeline_mode = #tpu.pipeline_mode<synchronous>, transform_indices = @transform_1, window_bounds = array<i64: 1, 1>}, {transform_indices = @transform_2, window_bounds = array<i64: 1, 1, 767, 767>}]} {
    %get3A = arith.constant 0 : index
    %get3A_0 = arith.constant 0 : index
    %get3A_1 = arith.constant 0 : index
    %get3A_2 = vector.load %arg1[%get3A, %get3A_0, %get3A_1] : memref<1x1x512xi32, #tpu.memory_space<vmem>>, vector<1x1x512xi32>
    %get3A_3 = arith.constant 0 : index
    %get3A_4 = arith.constant 0 : index
    %get3A_5 = vector.load %arg2[%get3A_3, %get3A_4] : memref<1x1xi32, #tpu.memory_space<vmem>>, vector<1x1xi32>
    %get3A_6 = vector.extract %get3A_5[0, 0] : i32 from vector<1x1xi32>
    %iota3A = tpu.iota {dimensions = array<i32: 2>} : vector<1x1x512xi32>
    %eq3A = vector.broadcast %get3A_6 : i32 to vector<1x1x512xi32>
    %eq3A_7 = arith.cmpi eq, %get3A_2, %eq3A : vector<1x1x512xi32>
    %jit3A = arith.constant -1 : i32
    %broadcast_in_dim3A = vector.broadcast %jit3A : i32 to vector<1x1x512xi32>
    %select_n3A = arith.select %eq3A_7, %iota3A, %broadcast_in_dim3A : vector<1x1x512xi1>, vector<1x1x512xi32>
    %reduce_max3A = vector.shape_cast %select_n3A : vector<1x1x512xi32> to vector<1x1x1x512xi32>
    %reduce_max3A_8 = arith.constant dense<-2147483648> : vector<1xi32>
    %reduce_max3A_9 = vector.multi_reduction <maxsi>, %reduce_max3A, %reduce_max3A_8 [1, 2, 3] : vector<1x1x1x512xi32> to vector<1xi32>
    %reduce_max3A_10 = vector.shape_cast %reduce_max3A_9 : vector<1xi32> to vector<1x1x1x1xi32>
    %reduce_max3A_11 = vector.extract %reduce_max3A_10[0, 0, 0, 0] : i32 from vector<1x1x1x1xi32>
    %iota3A_12 = tpu.iota {dimensions = array<i32: 2>} : vector<1x1x767x767xi32>
    %iota3A_13 = tpu.iota {dimensions = array<i32: 3>} : vector<1x1x767x767xi32>
    %ge3A = vector.broadcast %reduce_max3A_11 : i32 to vector<1x1x767x767xi32>
    %ge3A_14 = arith.cmpi sge, %iota3A_12, %ge3A : vector<1x1x767x767xi32>
    %add3A = arith.constant 256 : i32
    %add3A_15 = arith.addi %reduce_max3A_11, %add3A : i32
    %lt3A = vector.broadcast %add3A_15 : i32 to vector<1x1x767x767xi32>
    %lt3A_16 = arith.cmpi slt, %iota3A_12, %lt3A : vector<1x1x767x767xi32>
    %and3A = arith.andi %ge3A_14, %lt3A_16 : vector<1x1x767x767xi1>
    %ge3A_17 = vector.broadcast %reduce_max3A_11 : i32 to vector<1x1x767x767xi32>
    %ge3A_18 = arith.cmpi sge, %iota3A_13, %ge3A_17 : vector<1x1x767x767xi32>
    %add3A_19 = arith.constant 256 : i32
    %add3A_20 = arith.addi %reduce_max3A_11, %add3A_19 : i32
    %lt3A_21 = vector.broadcast %add3A_20 : i32 to vector<1x1x767x767xi32>
    %lt3A_22 = arith.cmpi slt, %iota3A_13, %lt3A_21 : vector<1x1x767x767xi32>
    %and3A_23 = arith.andi %ge3A_18, %lt3A_22 : vector<1x1x767x767xi1>
    %ge3A_24 = arith.cmpi sge, %iota3A_12, %iota3A_13 : vector<1x1x767x767xi32>
    %and3A_25 = arith.andi %and3A, %and3A_23 : vector<1x1x767x767xi1>
    %or3A = arith.ori %ge3A_24, %and3A_25 : vector<1x1x767x767xi1>
    %convert_element_type3A = arith.extui %or3A : vector<1x1x767x767xi1> to vector<1x1x767x767xi32>
    %convert_element_type3A_26 = arith.sitofp %convert_element_type3A : vector<1x1x767x767xi32> to vector<1x1x767x767xf32>
    %swap3A = arith.constant 0 : index
    %swap3A_27 = arith.constant 0 : index
    %swap3A_28 = arith.constant 0 : index
    %swap3A_29 = arith.constant 0 : index
    %swap3A_30 = vector.load %arg3[%swap3A, %swap3A_27, %swap3A_28, %swap3A_29] : memref<1x1x767x767xf32, #tpu.memory_space<vmem>>, vector<1x1x767x767xf32>
    tpu.vector_store %arg3[%swap3A, %swap3A_27, %swap3A_28, %swap3A_29], %convert_element_type3A_26 {strides = array<i32>} : memref<1x1x767x767xf32, #tpu.memory_space<vmem>>, vector<1x1x767x767xf32>,
    return
  }
  func.func @transform_0(%arg0: i32) -> (i32, i32, i32) {
    %c0_i32 = arith.constant 0 : i32
    %c0_i32_0 = arith.constant 0 : i32
    %c0_i32_1 = arith.constant 0 : i32
    return %arg0, %c0_i32, %c0_i32_0 : i32, i32, i32
  }
  func.func @transform_1(%arg0: i32) -> (i32, i32) {
    %c0_i32 = arith.constant 0 : i32
    %c0_i32_0 = arith.constant 0 : i32
    %c0_i32_1 = arith.constant 0 : i32
    return %c0_i32, %c0_i32_0 : i32, i32
  }
  func.func @transform_2(%arg0: i32) -> (i32, i32, i32, i32) {
    %c0_i32 = arith.constant 0 : i32
    %c0_i32_0 = arith.constant 0 : i32
    %c0_i32_1 = arith.constant 0 : i32
    %c0_i32_2 = arith.constant 0 : i32
    return %arg0, %c0_i32, %c0_i32_0, %c0_i32_1 : i32, i32, i32, i32
  }
}

</mosaic_0001>

<sc_bundles>
// kernel: kernel.5.cloned.1.call-start
scs
__scs_entry_jumppad:
0x0: {  	(pc) =	sbr.rel $0x88, $3  }
0x1: {  	(tag) =	ssettag $0x0;
	lr =	simm.s32 $0x1  }
0x2: {  	[smem:$0x3F9B] =	sst lr;
	_ =	strace $0xD0000000  }
0x3: {  	_ = 	snop  }
0x4: {  	_ = 	snop  }
0x5: {  	_ = 	snop  }
0x6: {  	_ = 	snop  }
0x7: {  	_ = 	snop  }
__scs_overlays_trampoline_lowered:
0x8: {  	[smem:$0x3FAA] =	sst s0  }
0x9: {  	[smem:$0x3FAB] =	sst s1  }
0xa: {  	[smem:$0x3FAC] =	sst s2  }
0xb: {  	[smem:$0x3FAD] =	sst s3  }
0xc: {  	[smem:$0x3FAE] =	sst s4  }
0xd: {  	[smem:$0x3FAF] =	sst s5  }
0xe: {  	[smem:$0x3FB0] =	sst s6  }
0xf: {  	[smem:$0x3FB1] =	sst s7  }
0x10: {  	[smem:$0x3FB2] =	sst s8  }
0x11: {  	[smem:$0x3FB3] =	sst s9;
	s0 =	simm.s32 @!p0 $0x0  }
0x12: {  	s1 =	sld [smem:$0x3F99];
	s0 =	simm.s32 @p0 $0x1  }
0x13: {  	[smem:$0x3FB4] =	sst s0;
	s0 =	simm.s32 @!p1 $0x0  }
0x14: {  	s2 =	sld [smem:$0x3F98];
	s0 =	simm.s32 @p1 $0x1  }
0x15: {  	[smem:$0x3FB5] =	sst s0;
	s0 =	simm.s32 @!p2 $0x0  }
0x16: {  	s3 =	sld [smem:$0x3FDB];
	s0 =	simm.s32 @p2 $0x1  }
0x17: {  	s4 =	simm.s32 $0x1BF5;
	[smem:$0x3FB7] =	sst s0  }
0x18: {  	s0 =	sld [smem:$0x3F9A];
	_ =	swait.ge [sflag:s4], $0x0  }
0x19: {  	s7 =	sld [smem:$0x3F9B]  }
0x1a: {  	s8 =	sadd.s32 $0xFFFFE003, lr  }
0x1b: {  	s9 =	sadd.s32 $0xFFFFFEF7, lr;
	s5 =	simm.s32 $0xFFFFFFFF;
	p2 =	slt.u32 s8, $0xFFFFF086  }
0x1c: {  	p1 =	slt.u32 s9, $0xF7A;
	s5 =	simm.s32 @!p2 $0x0  }
0x1d: {  	s5 =	simm.s32 @p1 $0x1;
	p0 =	seq.s32 s7, s2  }
0x1e: {  	s7 =	smul.u32 @!p0 $0xF7A, s2;
	p2 =	seq.s32 @!p0 s5, $0x0  }
0x1f: {  	s9 =	smul.u32 $0xF7A, s1;
	s8 =	simm.s32 @!p0 $0x1BF5;
	p2 =	por !p2, p0  }
0x20: {  	[sflag:s8] =	ssyncset.s32 @!p0 $0xFFFFF086;
	s6 =	sadd.s32 @!p0 s3, s7;
	s7 =	simm.s32 @!p0 $0x108  }
0x21: {  	s3 =	sadd.s32 s3, s9;
	s6 =	sadd.s32 @!p0 $0x88, s6;
	s7 =	simm.s32 @p2 $0x1082  }
0x22: {  	[simem:s7], [sflag:s8] =	dma.local @!p0 [hbm:s6], $0xF7A  }
0x23: {  	s9 =	sor.u32 $0xD0000000, s2;
	s6 =	simm.s32 $0x108;
	_ =	swait.ge @!p0 [sflag:s8], $0x0  }
0x24: {  	s3 =	sadd.s32 $0x88, s3;
	s6 =	simm.s32 @!p1 $0x1082;
	[sflag:s4] =	ssyncset.s32 $0xFFFFF086  }
0x25: {  	[simem:s6], [sflag:s4] =	dma.local [hbm:s3], $0xF7A  }
0x26: {  	[smem:$0x3F9B] =	sst s1;
	(tag) =	ssettag s2;
	_ =	strace s9  }
0x27: {  	s1 =	sld [smem:$0x3FAB]  }
0x28: {  	s2 =	sld [smem:$0x3FAC]  }
0x29: {  	s4 =	sld [smem:$0x3FAE]  }
0x2a: {  	p0 =	seq.s32 s5, $0x0;
	s5 =	sld [smem:$0x3FAF]  }
0x2b: {  	s6 =	sld [smem:$0x3FB0]  }
0x2c: {  	s7 =	sld [smem:$0x3FB1]  }
0x2d: {  	s3 =	simm.s32 $0x108;
	s8 =	sld [smem:$0x3FB2]  }
0x2e: {  	s3 =	simm.s32 @!p0 $0x1082;
	s9 =	sld [smem:$0x3FB3]  }
0x2f: {  	lr =	sadd.s32 s0, s3;
	s0 =	sld [smem:$0x3FAA]  }
0x30: {  	s3 =	sld [smem:$0x3FAD]  }
0x31: {  	[smem:$0x3FB6] =	sst s10  }
0x32: {  	s10 =	sld [smem:$0x3FB4];
	_ =	sdelay $0x3  }
0x33: {  	p0 =	seq.s32 s10, $0x1;
	s10 =	sld [smem:$0x3FB6];
	_ =	sdelay $0x3  }
0x34: {  	[smem:$0x3FB6] =	sst s10  }
0x35: {  	s10 =	sld [smem:$0x3FB5];
	_ =	sdelay $0x3  }
0x36: {  	p1 =	seq.s32 s10, $0x1;
	s10 =	sld [smem:$0x3FB6];
	_ =	sdelay $0x3  }
0x37: {  	[smem:$0x3FB6] =	sst s10  }
0x38: {  	s10 =	sld [smem:$0x3FB7]  }
0x39: {  	_ = 	snop;
	(pc) =	sbr.ind lr, $3  }
0x3a: {  	_ = 	snop  }
0x3b: {  	_ = 	snop  }
0x3c: {  	p2 =	seq.s32 s10, $0x1;
	s10 =	sld [smem:$0x3FB6]  }
0x3d: {  	_ =	shalt  }
0x3e: {  	_ =	shalt  }
0x3f: {  	_ =	shalt  }
0x40: {  	_ =	shalt  }
0x41: {  	_ =	shalt  }
0x42: {  	_ =	shalt  }
0x43: {  	_ =	shalt  }
0x44: {  	_ =	shalt  }
0x45: {  	_ =	shalt  }
0x46: {  	_ =	shalt  }
0x47: {  	_ =	shalt  }
0x48: {  	_ =	shalt  }
0x49: {  	_ =	shalt  }
0x4a: {  	_ =	shalt  }
0x4b: {  	_ =	shalt  }
0x4c: {  	_ =	shalt  }
0x4d: {  	_ =	shalt  }
0x4e: {  	_ =	shalt  }
0x4f: {  	_ =	shalt  }
0x50: {  	_ =	shalt  }
0x51: {  	_ =	shalt  }
0x52: {  	_ =	shalt  }
0x53: {  	_ =	shalt  }
0x54: {  	_ =	shalt  }
0x55: {  	_ =	shalt  }
0x56: {  	_ =	shalt  }
0x57: {  	_ =	shalt  }
0x58: {  	_ =	shalt  }
0x59: {  	_ =	shalt  }
0x5a: {  	_ =	shalt  }
0x5b: {  	_ =	shalt  }
0x5c: {  	_ =	shalt  }
0x5d: {  	_ =	shalt  }
0x5e: {  	_ =	shalt  }
0x5f: {  	_ =	shalt  }
0x60: {  	_ =	shalt  }
0x61: {  	_ =	shalt  }
0x62: {  	_ =	shalt  }
0x63: {  	_ =	shalt  }
0x64: {  	_ =	shalt  }
0x65: {  	_ =	shalt  }
0x66: {  	_ =	shalt  }
0x67: {  	_ =	shalt  }
0x68: {  	_ =	shalt  }
0x69: {  	_ =	shalt  }
0x6a: {  	_ =	shalt  }
0x6b: {  	_ =	shalt  }
0x6c: {  	_ =	shalt  }
0x6d: {  	_ =	shalt  }
0x6e: {  	_ =	shalt  }
0x6f: {  	_ =	shalt  }
0x70: {  	_ =	shalt  }
0x71: {  	_ =	shalt  }
0x72: {  	_ =	shalt  }
0x73: {  	_ =	shalt  }
0x74: {  	_ =	shalt  }
0x75: {  	_ =	shalt  }
0x76: {  	_ =	shalt  }
0x77: {  	_ =	shalt  }
0x78: {  	_ =	shalt  }
0x79: {  	_ =	shalt  }
0x7a: {  	_ =	shalt  }
0x7b: {  	_ =	shalt  }
0x7c: {  	_ =	shalt  }
0x7d: {  	_ =	shalt  }
0x7e: {  	_ =	shalt  }
0x7f: {  	_ =	shalt  }
0x80: {  	_ =	shalt  }
0x81: {  	_ =	shalt  }
0x82: {  	_ =	shalt  }
0x83: {  	_ =	shalt  }
0x84: {  	_ =	shalt  }
0x85: {  	_ =	shalt  }
0x86: {  	_ =	shalt  }
0x87: {  	_ =	shalt  }
.Lfunc_end0:
.L_simem_size_0:
called_computation_lowered:
.L_overlay_start_0:
0x88: {  	s2 =	sld [smem:$0x3FD9]  }
0x89: {  	s3 =	sld [smem:$0x3FFE];
	_ =	sdelay $0x1  }
0x8a: {  	s1 =	srdreg.scid  }
0x8b: {  	s0 =	sand.u32 $0x1, s1  }
0x8c: {  	s14 =	sshll.u32 s0, $0xA;
	s2 =	sadd.s32 s3, s2  }
0x8d: {  	s2 =	sadd.s32 s2, s14  }
0x8e: {  	[smem:$0x3FC2] =	sst s2  }
0x8f: {  	_ = 	snop  }
0x90: {  	s2 =	sld [smem:$0x3FD0];
	_ =	sdelay $0x2  }
0x91: {  	s4 =	simm.s32 $0xA;
	s5 =	simm.s32 $0x10;
	s15 =	sld [smem:$0x3FC7]  }
0x92: {  	[smem:s5], [sflag:s4] =	dma.local [hbm:s2], $0x1  }
0x93: {  	_ =	swait.eq [sflag:s4], $0x1  }
0x94: {  	[sflag:s4] =	ssyncset.done $0x0  }
0x95: {  	[sflag:s4] =	ssyncadd.s32 $0xFFFFFFFF  }
0x96: {  	s16 =	sld [smem:$0x10];
	(tm) =	ssettm $0x1  }
0x97: {  	s17 =	sld [smem:$0x3FFB];
	_ =	sdelay $0x3  }
0x98: {  	_ =	strace s17  }
0x99: {  	s4 =	sld [smem:$0x3FFC];
	_ =	sdelay $0x3  }
0x9a: {  	_ =	strace s4  }
0x9b: {  	s4 =	sld [smem:$0x3FFD];
	_ =	sdelay $0x3  }
0x9c: {  	_ =	strace s4  }
0x9d: {  	_ =	strace $0x8FFFFFFF  }
0x9e: {  	s18 =	sld [smem:$0x3FDB];
	_ =	sdelay $0x1  }
0x9f: {  	s19 =	simm.s32 $_scs_section_size  }
0xa0: {  	s6 =	simm.s32 $_size__tile_overlayer_lowered;
	s7 =	simm.s32 $_tile_overlayer_lowered  }
0xa1: {  	s22 =	simm.s32 $0x1BFF;
	s21 =	sshll.u32 s7, $0x1;
	s4 =	sadd.s32 s19, s18  }
0xa2: {  	s8 =	simm.s32 $0x0;
	s20 =	sshll.u32 s6, $0x1;
	s6 =	sadd.s32 s21, s4  }
0xa3: {  	[timem:s8], [sflag:s22] =	dma.local [hbm:s6], s20  }
0xa4: {  	_ =	swait.ge [sflag:s22], s20  }
0xa5: {  	s5 =	ssub.s32 $0x0, s20;
	[sflag:s22] =	ssyncset.done $0x0  }
0xa6: {  	[sflag:s22] =	ssyncadd.s32 s5;
	_ =	sdelay $0x1  }
0xa7: {  	s23 =	simm.s32 $0x1B8B  }
0xa8: {  	_ =	swait.ge [sflag:s23], $0x1  }
0xa9: {  	[sflag:s23] =	ssyncset.done $0x0  }
0xaa: {  	s25 =	simm.s32 $0x1B8E;
	s24 =	sld [smem:$0x3FFE];
	[sflag:s23] =	ssyncadd.s32 $0xFFFFFFFF  }
0xab: {  	s26 =	simm.s32 $execute0_lowered;
	[smem:$0x3FD2] =	sst s25  }
0xac: {  	s6 =	sshll.u32 s26, $0x1;
	_ =	strace $0x80000046;
	[dreg:$0x1] =	wrdreg $0xFFFFFFFF  }
0xad: {  	s28 =	simm.s32 $_size_execute0_lowered;
	s4 =	sadd.s32 s4, s6;
	[dreg:$0x0] =	wrdreg $0x0  }
0xae: {  	s6 =	sshll.u32 s28, $0x1;
	[dreg:$0x2] =	wrdreg s4  }
0xaf: {  	[dreg:$0x3] =	wrdreg s6  }
0xb0: {  	[dreg:$0x4] =	wrdreg $0xC0  }
0xb1: {  	_ =	task [dreg:s8], $0x5FFFF  }
0xb2: {  	[dreg:$0x1] =	wrdreg $0xFFFFFFFF  }
0xb3: {  	[dreg:$0x0] =	wrdreg $0x60  }
0xb4: {  	[dreg:$0x2] =	wrdreg s16  }
0xb5: {  	[dreg:$0x3] =	wrdreg s24  }
0xb6: {  	[dreg:$0x4] =	wrdreg s15  }
0xb7: {  	[dreg:$0x5] =	wrdreg $0x9  }
0xb8: {  	_ =	task.clear_ibuf [dreg:s8], $0x6FFFF;
	_ =	strace $0x90000046  }
0xb9: {  	s29 =	simm.s32 $0x9;
	_ =	strace $0x80000048  }
0xba: {  	_ =	swait.ge [sflag:s29], $0x1  }
0xbb: {  	[sflag:s29] =	ssyncadd.s32 $0xFFFFFFFF  }
0xbc: {  	_ =	strace $0x90000048  }
0xbd: {  	_ =	sfence  }
0xbe: {  	s30 =	sld [smem:$0x0];
	_ =	sdelay $0x2  }
0xbf: {  	s31 =	sshll.u32 s1, $0xD;
	s1 =	sshrl.u32 s1, $0x2  }
0xc0: {  	s3 =	sand.u32 $0x4000, s31;
	s1 =	sadd.s32 s1, s30  }
0xc1: {  	s0 =	sor.u32 s3, s0;
	s1 =	sshll.u32 s1, $0x11  }
0xc2: {  	s0 =	sor.u32 s1, s0  }
0xc3: {  	s0 =	sadd.s32 $0x8F2B, s0  }
0xc4: {  	[sflag:s0] =	ssyncadd.remote.s32 $0x1  }
0xc5: {  	_ =	sfence.sel $0xFFFF  }
0xc6: {  	[dreg:$0x0] =	wrdreg $0xFFFFFFFF;
	(pc) =	sbr.abs _section_cstart, $3  }
0xc7: {  	[dreg:$0x1] =	wrdreg $0xFFFFFFFF  }
0xc8: {  	_ =	task.clear_ibuf [dreg:s8], $0x2FFFF;
	_ =	strace $0x9FFFFFFF  }
0xc9: {  	(tm) =	ssettm $0x7FFFFFFF  }
tec
execute0_lowered:
.L_overlay_start_1:
0x0: {  	(tag) =	ssettag $0x1  }
0x1: {  	s0 =	rddreg [dreg:$0x0]  }
0x2: {  	s3 =	rddreg [dreg:$0x1]  }
0x3: {  	s1 =	rddreg [dreg:$0x2];
	s2 =	simm.s32 $0x0;
	s26 =	srdreg.scid  }
0x4: {  	s8 =	stileid.u32;
	[smem:$0x7FF] =	sst s2;
	s4 =	sadd.s32 $0x1400, s3  }
0x5: {  	s5 =	sadd.s32 $0x1600, s3;
	s6 =	sshll.u32 s8, $0x1;
	s8 =	sshrl.u32 s8, $0x1  }
0x6: {  	_ =	strace $0x80000047;
	[dreg:$0x4] =	wrdreg s4;
	s4 =	sand.u32 $0x1, s26  }
0x7: {  	v0 =	vlaneseq.u32;
	s10 =	sadd.s32 $0x300, s1;
	s6 =	sand.u32 $0x2, s6;
	s7 =	ssub.s32 $0x2, s4  }
0x8: {  	vm0 =	vmmov $0xffff;
	v17 =	vor.u32 $0x100, v0;
	s29 =	smul.u32 $0x300, s8;
	s4 =	sor.u32 s4, s6;
	s9 =	sshrl.u32 s7, $0x1  }
0x9: {  	s11 =	sadd.s32 $0x1700, s3;
	v18 =	vand.u32 $0x7, v0;
	v19 =	vshrl.u32 v0, $0x3;
	v20 =	vor.u32 $0x8, v0;
	s14 =	ssub.s32 s7, s9;
	s7 =	sshll.u32 s4, $0x7  }
0xa: {  	s12 =	sadd.s32 $0x1800, s3;
	v19 =	vmul.u32 $0x8, v19;
	v1 =	vmov s29;
	s4 =	sor.u32 $0x10, s7;
	s30 =	sor.u32 $0x20, s7;
	v16 =	vor.u32 s7, v0  }
0xb: {  	s13 =	sadd.s32 $0x1900, s3;
	s3 =	simm.s32 $0x0;
	s16 =	sor.u32 $0x30, s7;
	v2 =	vor.u32 s4, v0;
	v3 =	vadd.s32 s4, v17;
	v4 =	vor.u32 s30, v0  }
0xc: {  	s28 =	sshll.u32 s8, $0x6;
	s17 =	sor.u32 $0x40, s7;
	s19 =	sor.u32 $0x50, s7;
	v5 =	vadd.s32 s30, v17;
	v6 =	vor.u32 s16, v0;
	v7 =	vadd.s32 s16, v17  }
0xd: {  	s8 =	sadd.s32 $0x100, s1;
	s0 =	sadd.s32 s0, s28;
	s20 =	sor.u32 $0x60, s7;
	v8 =	vor.u32 s17, v0;
	v9 =	vadd.s32 s17, v17;
	v10 =	vor.u32 s19, v0  }
0xe: {  	[dreg:$0x5] =	wrdreg s0;
	s22 =	sor.u32 $0x70, s7;
	s31 =	smax.u32 s14, $0x1;
	v11 =	vadd.s32 s19, v17;
	v12 =	vor.u32 s20, v0;
	v13 =	vadd.s32 s20, v17  }
0xf: {  	s9 =	sadd.s32 $0x200, s1;
	s1 =	simm.s32 $0x1;
	[dreg:$0x6] =	wrdreg s31;
	v14 =	vor.u32 s22, v0;
	v15 =	vadd.s32 s22, v17;
	v17 =	vadd.s32 s7, v17  }
.LBB2_1:
0x10: {  	[dreg:$0x7] =	wrdreg s3  }
0x11: {  	s0 =	rddreg [dreg:$0x5];
	s4 =	simm.s32 $0x2  }
0x12: {  	[tilespmem:s2], [sflag:$0x2] =	stream.linear.gather [hbm4b:s0+s2], $0x200, $0x38;
	[tilespmem:$0x10500] =	vst v63  }
0x13: {  	_ =	swait.ge [sflag:s4], $0x200  }
0x14: {  	[sflag:s4] =	ssyncset.done $0x0  }
0x15: {  	s31 =	simm.s32 $0x280;
	s30 =	rddreg [dreg:$0x4];
	[sflag:s4] =	ssyncadd.s32 $0xFFFFFE00  }
0x16: {  	[tilespmem:s31], [sflag:$0x2] =	stream.linear.gather [hbm4b:s30+s2], $0x80, $0x38;
	[tilespmem:$0x10500] =	vst v63  }
0x17: {  	_ =	swait.ge [sflag:s4], $0x80  }
0x18: {  	[sflag:s4] =	ssyncset.done $0x0  }
0x19: {  	[sflag:s4] =	ssyncadd.s32 $0xFFFFFF80  }
0x1a: {  	v22 =	vld [tilespmem:$0x280]  }
0x1b: {  	v23 =	vld [tilespmem:s2+$0x0];
	_ =	sdelay $0x4  }
0x1c: {  	v21 =	vimm.s32 $0x0;
	s3 =	simm.s32 $0x10;
	s0 =	simm.s32 $0x10;
	vm1 =	veq.s32 v23, v22;
	v23 =	vor.u32 s2, v0  }
.LBB2_2:
0x1d: {  	v24 =	vld [tilespmem:s3+$0x0];
	p0 =	sne.s32 s0, $0x1F0;
	v23 =	vnsel vm1, $0x0, v23;
	s16 =	smov.u32 s0;
	s0 =	sadd.s32 $0x10, s0  }
.Ltmp0:
0x1e: {  	v21 =	vadd.s32 v21, v23;
	(pc) =	sbr.rel @p0 .LBB2_2-.Ltmp0, $2  }
0x1f: {  	_ =	sdelay $0x2  }
0x20: {  	s3 =	sadd.s32 $0x10, s3;
	v23 =	vor.u32 s16, v0;
	vm1 =	veq.s32 v24, v22  }
0x21: {  	v22 =	vnsel vm1, $0x0, v23  }
0x22: {  	v21 =	vadd.s32 v21, v22  }
0x23: {  	(v2sf) =	vpush v21, $0x0  }
0x24: {  	(v2sf) =	vpush v21, $0x1  }
0x25: {  	(v2sf) =	vpush v21, $0x2  }
0x26: {  	(v2sf) =	vpush v21, $0x3  }
0x27: {  	(v2sf) =	vpush v21, $0x4  }
0x28: {  	(v2sf) =	vpush v21, $0x5  }
0x29: {  	(v2sf) =	vpush v21, $0x6  }
0x2a: {  	(v2sf) =	vpush v21, $0x7  }
0x2b: {  	(v2sf) =	vpush v21, $0x8  }
0x2c: {  	(v2sf) =	vpush v21, $0x9  }
0x2d: {  	(v2sf) =	vpush v21, $0xA  }
0x2e: {  	(v2sf) =	vpush v21, $0xB  }
0x2f: {  	(v2sf) =	vpush v21, $0xC  }
0x30: {  	(v2sf) =	vpush v21, $0xD  }
0x31: {  	(v2sf) =	vpush v21, $0xE  }
0x32: {  	s0 =	spop (v2sf);
	(v2sf) =	vpush v21, $0xF  }
0x33: {  	s3 =	spop (v2sf)  }
0x34: {  	s0 =	sadd.s32 s3, s0;
	s31 =	spop (v2sf)  }
0x35: {  	s0 =	sadd.s32 s31, s0;
	s4 =	spop (v2sf)  }
0x36: {  	s0 =	sadd.s32 s4, s0;
	s6 =	spop (v2sf)  }
0x37: {  	s0 =	sadd.s32 s6, s0;
	s14 =	spop (v2sf)  }
0x38: {  	s0 =	sadd.s32 s14, s0;
	s15 =	spop (v2sf)  }
0x39: {  	s0 =	sadd.s32 s15, s0;
	s16 =	spop (v2sf)  }
0x3a: {  	s0 =	sadd.s32 s16, s0;
	s17 =	spop (v2sf)  }
0x3b: {  	s0 =	sadd.s32 s17, s0;
	s18 =	spop (v2sf)  }
0x3c: {  	s0 =	sadd.s32 s18, s0;
	s19 =	spop (v2sf)  }
0x3d: {  	s0 =	sadd.s32 s19, s0;
	s20 =	spop (v2sf)  }
0x3e: {  	v22 =	vld [tilespmem:s7+$0x1];
	s0 =	sadd.s32 s20, s0;
	s21 =	spop (v2sf)  }
0x3f: {  	v21 =	vld [tilespmem:s7+$0x0];
	s0 =	sadd.s32 s21, s0;
	s22 =	spop (v2sf)  }
0x40: {  	s0 =	sadd.s32 s22, s0;
	s23 =	spop (v2sf)  }
0x41: {  	s0 =	sadd.s32 s23, s0;
	s24 =	spop (v2sf)  }
0x42: {  	s0 =	sadd.s32 s24, s0  }
0x43: {  	vm1 =	vlt.s32 v16, s0  }
0x44: {  	v21 =	vsel vm1, v21, v22  }
0x45: {  	v22 =	vsel vm1, v16, v17;
	vm2 =	vgt.s32 v21, $0x0  }
0x46: {  	v22 =	vadd.s32 v1, v22;
	v21 =	vnsel vm2, $0x0, v21  }
0x47: {  	[tilespmem:$0x400] =	vst v22;
	v21 =	vmin.u32 v21, $0x7CFF  }
0x48: {  	[tilespmem:$0x300] =	vst v21  }
0x49: {  	v21 =	vld [tilespmem:s7+$0x10]  }
0x4a: {  	v22 =	vld [tilespmem:s7+$0x11];
	_ =	sdelay $0x3  }
0x4b: {  	vm1 =	vlt.s32 v2, s0  }
0x4c: {  	v21 =	vsel vm1, v21, v22  }
0x4d: {  	v22 =	vsel vm1, v2, v3;
	vm2 =	vgt.s32 v21, $0x0  }
0x4e: {  	v22 =	vadd.s32 v1, v22;
	v21 =	vnsel vm2, $0x0, v21  }
0x4f: {  	[tilespmem:$0x410] =	vst v22;
	v21 =	vmin.u32 v21, $0x7CFF  }
0x50: {  	[tilespmem:$0x310] =	vst v21  }
0x51: {  	v21 =	vld [tilespmem:s7+$0x20]  }
0x52: {  	v22 =	vld [tilespmem:s7+$0x21];
	_ =	sdelay $0x3  }
0x53: {  	vm1 =	vlt.s32 v4, s0  }
0x54: {  	v21 =	vsel vm1, v21, v22  }
0x55: {  	v22 =	vsel vm1, v4, v5;
	vm2 =	vgt.s32 v21, $0x0  }
0x56: {  	v22 =	vadd.s32 v1, v22;
	v21 =	vnsel vm2, $0x0, v21  }
0x57: {  	[tilespmem:$0x420] =	vst v22;
	v21 =	vmin.u32 v21, $0x7CFF  }
0x58: {  	[tilespmem:$0x320] =	vst v21  }
0x59: {  	v21 =	vld [tilespmem:s7+$0x30]  }
0x5a: {  	v22 =	vld [tilespmem:s7+$0x31];
	_ =	sdelay $0x3  }
0x5b: {  	vm1 =	vlt.s32 v6, s0  }
0x5c: {  	v21 =	vsel vm1, v21, v22  }
0x5d: {  	v22 =	vsel vm1, v6, v7;
	vm2 =	vgt.s32 v21, $0x0  }
0x5e: {  	v22 =	vadd.s32 v1, v22;
	v21 =	vnsel vm2, $0x0, v21  }
0x5f: {  	[tilespmem:$0x430] =	vst v22;
	v21 =	vmin.u32 v21, $0x7CFF  }
0x60: {  	[tilespmem:$0x330] =	vst v21  }
0x61: {  	v21 =	vld [tilespmem:s7+$0x40]  }
0x62: {  	v22 =	vld [tilespmem:s7+$0x41];
	_ =	sdelay $0x3  }
0x63: {  	vm1 =	vlt.s32 v8, s0  }
0x64: {  	v21 =	vsel vm1, v21, v22  }
0x65: {  	v22 =	vsel vm1, v8, v9;
	vm2 =	vgt.s32 v21, $0x0  }
0x66: {  	v22 =	vadd.s32 v1, v22;
	v21 =	vnsel vm2, $0x0, v21  }
0x67: {  	[tilespmem:$0x480] =	vst v22;
	v21 =	vmin.u32 v21, $0x7CFF  }
0x68: {  	[tilespmem:$0x380] =	vst v21  }
0x69: {  	v21 =	vld [tilespmem:s7+$0x50]  }
0x6a: {  	v22 =	vld [tilespmem:s7+$0x51];
	_ =	sdelay $0x3  }
0x6b: {  	vm1 =	vlt.s32 v10, s0  }
0x6c: {  	v21 =	vsel vm1, v21, v22  }
0x6d: {  	v22 =	vsel vm1, v10, v11;
	vm2 =	vgt.s32 v21, $0x0  }
0x6e: {  	v22 =	vadd.s32 v1, v22;
	v21 =	vnsel vm2, $0x0, v21  }
0x6f: {  	[tilespmem:$0x490] =	vst v22;
	v21 =	vmin.u32 v21, $0x7CFF  }
0x70: {  	[tilespmem:$0x390] =	vst v21  }
0x71: {  	v21 =	vld [tilespmem:s7+$0x60]  }
0x72: {  	v22 =	vld [tilespmem:s7+$0x61];
	_ =	sdelay $0x3  }
0x73: {  	vm1 =	vlt.s32 v12, s0  }
0x74: {  	v21 =	vsel vm1, v21, v22  }
0x75: {  	v22 =	vsel vm1, v12, v13;
	vm2 =	vgt.s32 v21, $0x0  }
0x76: {  	v23 =	vld [tilespmem:$0x300];
	v22 =	vadd.s32 v1, v22;
	v21 =	vnsel vm2, $0x0, v21  }
0x77: {  	[tilespmem:$0x4A0] =	vst v22;
	v21 =	vmin.u32 v21, $0x7CFF  }
0x78: {  	[tilespmem:$0x3A0] =	vst v21  }
0x79: {  	v21 =	vld [tilespmem:s7+$0x70]  }
0x7a: {  	v22 =	vld [tilespmem:s7+$0x71]  }
0x7b: {  	v24 =	vshll.u32 v23, $0x3  }
0x7c: {  	v23 =	vand.u32 $0x7, v23;
	v24 =	vand.u32 $0xFFFFFFC0, v24  }
0x7d: {  	v23 =	vor.u32 v23, v24  }
0x7e: {  	v24 =	vperm.xlane v23, v18;
	vm1 =	vlt.s32 v14, s0  }
0x7f: {  	v21 =	vsel vm1, v21, v22  }
0x80: {  	v22 =	vadd.s32 v19, v24;
	vm2 =	vgt.s32 v21, $0x0  }
0x81: {  	v21 =	vnsel vm2, $0x0, v21  }
0x82: {  	v63 =	vsel vm1, v14, v15;
	v21 =	vmin.u32 v21, $0x7CFF  }
0x83: {  	[tilespmem:$0x3B0] =	vst v21;
	v21 =	vadd.s32 v1, v63  }
0x84: {  	s25 =	simm.s32 $0x500;
	s31 =	rddreg [dreg:$0x2];
	[tilespmem:$0x4B0] =	vst v21  }
0x85: {  	[tilespmem:s25], [sflag:$0x1] =	stream.indirect_vreg.gather [hbm4b:s31+s2], $0x80, v22, vm0, $0xb8;
	[tilespmem:$0x10500] =	vst v63  }
0x86: {  	s26 =	simm.s32 $0xD00;
	v21 =	vperm.xlane v23, v20  }
0x87: {  	[tilespmem:s26], [sflag:$0x1] =	stream.indirect_vreg.gather [hbm4b:s8+s2], $0x80, v22, vm0, $0xb8;
	[tilespmem:$0x10500] =	vst v63  }
0x88: {  	s16 =	simm.s32 $0x1500;
	v21 =	vadd.s32 v19, v21  }
0x89: {  	[tilespmem:s16], [sflag:$0x1] =	stream.indirect_vreg.gather [hbm4b:s9+s2], $0x80, v22, vm0, $0xb8;
	[tilespmem:$0x10500] =	vst v63  }
0x8a: {  	s4 =	simm.s32 $0x1D00  }
0x8b: {  	[tilespmem:s4], [sflag:$0x1] =	stream.indirect_vreg.gather [hbm4b:s10+s2], $0x80, v22, vm0, $0xb8;
	[tilespmem:$0x10500] =	vst v63  }
0x8c: {  	s28 =	simm.s32 $0x2500  }
0x8d: {  	[tilespmem:s28], [sflag:$0x1] =	stream.indirect_vreg.gather [hbm4b:s31+s2], $0x80, v21, vm0, $0xb8;
	[tilespmem:$0x10500] =	vst v63  }
0x8e: {  	s29 =	simm.s32 $0x2D00  }
0x8f: {  	[tilespmem:s29], [sflag:$0x1] =	stream.indirect_vreg.gather [hbm4b:s8+s2], $0x80, v21, vm0, $0xb8;
	[tilespmem:$0x10500] =	vst v63  }
0x90: {  	s30 =	simm.s32 $0x3500  }
0x91: {  	[tilespmem:s30], [sflag:$0x1] =	stream.indirect_vreg.gather [hbm4b:s9+s2], $0x80, v21, vm0, $0xb8;
	[tilespmem:$0x10500] =	vst v63  }
0x92: {  	s14 =	simm.s32 $0x3D00  }
0x93: {  	[tilespmem:s14], [sflag:$0x1] =	stream.indirect_vreg.gather [hbm4b:s10+s2], $0x80, v21, vm0, $0xb8;
	[tilespmem:$0x10500] =	vst v63  }
0x94: {  	v21 =	vld [tilespmem:$0x310];
	_ =	sdelay $0x4  }
0x95: {  	v22 =	vshll.u32 v21, $0x3  }
0x96: {  	v21 =	vand.u32 $0x7, v21;
	v22 =	vand.u32 $0xFFFFFFC0, v22  }
0x97: {  	v21 =	vor.u32 v21, v22  }
0x98: {  	v22 =	vperm.xlane v21, v18;
	_ =	sdelay $0x1  }
0x99: {  	v22 =	vadd.s32 v19, v22;
	_ =	sdelay $0x3  }
0x9a: {  	s15 =	simm.s32 $0x4500  }
0x9b: {  	[tilespmem:s15], [sflag:$0x1] =	stream.indirect_vreg.gather [hbm4b:s31+s2], $0x80, v22, vm0, $0xb8;
	[tilespmem:$0x10500] =	vst v63  }
0x9c: {  	s19 =	simm.s32 $0x4D00;
	v21 =	vperm.xlane v21, v20  }
0x9d: {  	[tilespmem:s19], [sflag:$0x1] =	stream.indirect_vreg.gather [hbm4b:s8+s2], $0x80, v22, vm0, $0xb8;
	[tilespmem:$0x10500] =	vst v63  }
0x9e: {  	s20 =	simm.s32 $0x5500;
	v21 =	vadd.s32 v19, v21  }
0x9f: {  	[tilespmem:s20], [sflag:$0x1] =	stream.indirect_vreg.gather [hbm4b:s9+s2], $0x80, v22, vm0, $0xb8;
	[tilespmem:$0x10500] =	vst v63  }
0xa0: {  	s21 =	simm.s32 $0x5D00  }
0xa1: {  	[tilespmem:s21], [sflag:$0x1] =	stream.indirect_vreg.gather [hbm4b:s10+s2], $0x80, v22, vm0, $0xb8;
	[tilespmem:$0x10500] =	vst v63  }
0xa2: {  	s22 =	simm.s32 $0x6500  }
0xa3: {  	[tilespmem:s22], [sflag:$0x1] =	stream.indirect_vreg.gather [hbm4b:s31+s2], $0x80, v21, vm0, $0xb8;
	[tilespmem:$0x10500] =	vst v63  }
0xa4: {  	s23 =	simm.s32 $0x6D00  }
0xa5: {  	[tilespmem:s23], [sflag:$0x1] =	stream.indirect_vreg.gather [hbm4b:s8+s2], $0x80, v21, vm0, $0xb8;
	[tilespmem:$0x10500] =	vst v63  }
0xa6: {  	s26 =	simm.s32 $0x7500  }
0xa7: {  	[tilespmem:s26], [sflag:$0x1] =	stream.indirect_vreg.gather [hbm4b:s9+s2], $0x80, v21, vm0, $0xb8;
	[tilespmem:$0x10500] =	vst v63  }
0xa8: {  	s28 =	simm.s32 $0x7D00  }
0xa9: {  	[tilespmem:s28], [sflag:$0x1] =	stream.indirect_vreg.gather [hbm4b:s10+s2], $0x80, v21, vm0, $0xb8;
	[tilespmem:$0x10500] =	vst v63  }
0xaa: {  	v21 =	vld [tilespmem:$0x320];
	_ =	sdelay $0x4  }
0xab: {  	v22 =	vshll.u32 v21, $0x3  }
0xac: {  	v21 =	vand.u32 $0x7, v21;
	v22 =	vand.u32 $0xFFFFFFC0, v22  }
0xad: {  	v21 =	vor.u32 v21, v22  }
0xae: {  	v22 =	vperm.xlane v21, v18;
	_ =	sdelay $0x1  }
0xaf: {  	v22 =	vadd.s32 v19, v22;
	_ =	sdelay $0x3  }
0xb0: {  	s29 =	simm.s32 $0x8500  }
0xb1: {  	[tilespmem:s29], [sflag:$0x1] =	stream.indirect_vreg.gather [hbm4b:s31+s2], $0x80, v22, vm0, $0xb8;
	[tilespmem:$0x10500] =	vst v63  }
0xb2: {  	s30 =	simm.s32 $0x8D00;
	v21 =	vperm.xlane v21, v20  }
0xb3: {  	[tilespmem:s30], [sflag:$0x1] =	stream.indirect_vreg.gather [hbm4b:s8+s2], $0x80, v22, vm0, $0xb8;
	[tilespmem:$0x10500] =	vst v63  }
0xb4: {  	s14 =	simm.s32 $0x9500;
	v21 =	vadd.s32 v19, v21  }
0xb5: {  	[tilespmem:s14], [sflag:$0x1] =	stream.indirect_vreg.gather [hbm4b:s9+s2], $0x80, v22, vm0, $0xb8;
	[tilespmem:$0x10500] =	vst v63  }
0xb6: {  	s15 =	simm.s32 $0x9D00  }
0xb7: {  	[tilespmem:s15], [sflag:$0x1] =	stream.indirect_vreg.gather [hbm4b:s10+s2], $0x80, v22, vm0, $0xb8;
	[tilespmem:$0x10500] =	vst v63  }
0xb8: {  	s19 =	simm.s32 $0xA500  }
0xb9: {  	[tilespmem:s19], [sflag:$0x1] =	stream.indirect_vreg.gather [hbm4b:s31+s2], $0x80, v21, vm0, $0xb8;
	[tilespmem:$0x10500] =	vst v63  }
0xba: {  	s23 =	simm.s32 $0xAD00  }
0xbb: {  	[tilespmem:s23], [sflag:$0x1] =	stream.indirect_vreg.gather [hbm4b:s8+s2], $0x80, v21, vm0, $0xb8;
	[tilespmem:$0x10500] =	vst v63  }
0xbc: {  	s26 =	simm.s32 $0xB500  }
0xbd: {  	[tilespmem:s26], [sflag:$0x1] =	stream.indirect_vreg.gather [hbm4b:s9+s2], $0x80, v21, vm0, $0xb8;
	[tilespmem:$0x10500] =	vst v63  }
0xbe: {  	s28 =	simm.s32 $0xBD00  }
0xbf: {  	[tilespmem:s28], [sflag:$0x1] =	stream.indirect_vreg.gather [hbm4b:s10+s2], $0x80, v21, vm0, $0xb8;
	[tilespmem:$0x10500] =	vst v63  }
0xc0: {  	v21 =	vld [tilespmem:$0x330];
	_ =	sdelay $0x4  }
0xc1: {  	v22 =	vshll.u32 v21, $0x3  }
0xc2: {  	v21 =	vand.u32 $0x7, v21;
	v22 =	vand.u32 $0xFFFFFFC0, v22  }
0xc3: {  	v21 =	vor.u32 v21, v22  }
0xc4: {  	v22 =	vperm.xlane v21, v18;
	_ =	sdelay $0x1  }
0xc5: {  	v22 =	vadd.s32 v19, v22;
	_ =	sdelay $0x3  }
0xc6: {  	s29 =	simm.s32 $0xC500  }
0xc7: {  	[tilespmem:s29], [sflag:$0x1] =	stream.indirect_vreg.gather [hbm4b:s31+s2], $0x80, v22, vm0, $0xb8;
	[tilespmem:$0x10500] =	vst v63  }
0xc8: {  	s14 =	simm.s32 $0xCD00;
	v21 =	vperm.xlane v21, v20  }
0xc9: {  	[tilespmem:s14], [sflag:$0x1] =	stream.indirect_vreg.gather [hbm4b:s8+s2], $0x80, v22, vm0, $0xb8;
	[tilespmem:$0x10500] =	vst v63  }
0xca: {  	s15 =	simm.s32 $0xD500;
	v21 =	vadd.s32 v19, v21  }
0xcb: {  	[tilespmem:s15], [sflag:$0x1] =	stream.indirect_vreg.gather [hbm4b:s9+s2], $0x80, v22, vm0, $0xb8;
	[tilespmem:$0x10500] =	vst v63  }
0xcc: {  	s19 =	simm.s32 $0xDD00  }
0xcd: {  	[tilespmem:s19], [sflag:$0x1] =	stream.indirect_vreg.gather [hbm4b:s10+s2], $0x80, v22, vm0, $0xb8;
	[tilespmem:$0x10500] =	vst v63  }
0xce: {  	s23 =	simm.s32 $0xE500  }
0xcf: {  	[tilespmem:s23], [sflag:$0x1] =	stream.indirect_vreg.gather [hbm4b:s31+s2], $0x80, v21, vm0, $0xb8;
	[tilespmem:$0x10500] =	vst v63  }
0xd0: {  	s26 =	simm.s32 $0xED00  }
0xd1: {  	[tilespmem:s26], [sflag:$0x1] =	stream.indirect_vreg.gather [hbm4b:s8+s2], $0x80, v21, vm0, $0xb8;
	[tilespmem:$0x10500] =	vst v63  }
0xd2: {  	s28 =	simm.s32 $0xF500  }
0xd3: {  	[tilespmem:s28], [sflag:$0x1] =	stream.indirect_vreg.gather [hbm4b:s9+s2], $0x80, v21, vm0, $0xb8;
	[tilespmem:$0x10500] =	vst v63  }
0xd4: {  	s29 =	simm.s32 $0xFD00  }
0xd5: {  	[tilespmem:s29], [sflag:$0x1] =	stream.indirect_vreg.gather [hbm4b:s10+s2], $0x80, v21, vm0, $0xb8;
	[tilespmem:$0x10500] =	vst v63  }
0xd6: {  	_ =	swait.ge [sflag:s1], $0x10000  }
0xd7: {  	[sflag:s1] =	ssyncset.done $0x0  }
0xd8: {  	[sflag:s1] =	ssyncadd.s32 $0xFFFF0000  }
0xd9: {  	v21 =	vld [tilespmem:$0x400];
	_ =	sdelay $0x4  }
0xda: {  	v22 =	vshll.u32 v21, $0x3  }
0xdb: {  	v21 =	vand.u32 $0x7, v21;
	v22 =	vand.u32 $0xFFFFFFC0, v22  }
0xdc: {  	v21 =	vor.u32 v21, v22  }
0xdd: {  	v22 =	vperm.xlane v21, v18;
	_ =	sdelay $0x1  }
0xde: {  	v22 =	vadd.s32 v19, v22;
	_ =	sdelay $0x3  }
0xdf: {  	s19 =	simm.s32 $0x500  }
0xe0: {  	[hbm4b:s5+s2] =	stream.indirect_vreg.scatter [tilespmem:s19], [sflag:$0x1], $0x80, v22, vm0, $0xb8;
	[tilespmem:$0x10500] =	vst v63  }
0xe1: {  	s3 =	simm.s32 $0xD00;
	v21 =	vperm.xlane v21, v20  }
0xe2: {  	[hbm4b:s11+s2] =	stream.indirect_vreg.scatter [tilespmem:s3], [sflag:$0x1], $0x80, v22, vm0, $0xb8;
	[tilespmem:$0x10500] =	vst v63  }
0xe3: {  	v21 =	vadd.s32 v19, v21  }
0xe4: {  	[hbm4b:s12+s2] =	stream.indirect_vreg.scatter [tilespmem:s16], [sflag:$0x1], $0x80, v22, vm0, $0xb8;
	[tilespmem:$0x10500] =	vst v63  }
0xe5: {  	_ = 	snop  }
0xe6: {  	[hbm4b:s13+s2] =	stream.indirect_vreg.scatter [tilespmem:s4], [sflag:$0x1], $0x80, v22, vm0, $0xb8;
	[tilespmem:$0x10500] =	vst v63  }
0xe7: {  	s6 =	simm.s32 $0x2500  }
0xe8: {  	[hbm4b:s5+s2] =	stream.indirect_vreg.scatter [tilespmem:s6], [sflag:$0x1], $0x80, v21, vm0, $0xb8;
	[tilespmem:$0x10500] =	vst v63  }
0xe9: {  	s17 =	simm.s32 $0x2D00  }
0xea: {  	[hbm4b:s11+s2] =	stream.indirect_vreg.scatter [tilespmem:s17], [sflag:$0x1], $0x80, v21, vm0, $0xb8;
	[tilespmem:$0x10500] =	vst v63  }
0xeb: {  	s18 =	simm.s32 $0x3500  }
0xec: {  	[hbm4b:s12+s2] =	stream.indirect_vreg.scatter [tilespmem:s18], [sflag:$0x1], $0x80, v21, vm0, $0xb8;
	[tilespmem:$0x10500] =	vst v63  }
0xed: {  	s23 =	simm.s32 $0x3D00  }
0xee: {  	[hbm4b:s13+s2] =	stream.indirect_vreg.scatter [tilespmem:s23], [sflag:$0x1], $0x80, v21, vm0, $0xb8;
	[tilespmem:$0x10500] =	vst v63  }
0xef: {  	v21 =	vld [tilespmem:$0x410];
	_ =	sdelay $0x4  }
0xf0: {  	v22 =	vshll.u32 v21, $0x3  }
0xf1: {  	v21 =	vand.u32 $0x7, v21;
	v22 =	vand.u32 $0xFFFFFFC0, v22  }
0xf2: {  	v21 =	vor.u32 v21, v22  }
0xf3: {  	v22 =	vperm.xlane v21, v18;
	_ =	sdelay $0x1  }
0xf4: {  	v22 =	vadd.s32 v19, v22;
	_ =	sdelay $0x3  }
0xf5: {  	s24 =	simm.s32 $0x4500  }
0xf6: {  	[hbm4b:s5+s2] =	stream.indirect_vreg.scatter [tilespmem:s24], [sflag:$0x1], $0x80, v22, vm0, $0xb8;
	[tilespmem:$0x10500] =	vst v63  }
0xf7: {  	s25 =	simm.s32 $0x4D00;
	v21 =	vperm.xlane v21, v20  }
0xf8: {  	[hbm4b:s11+s2] =	stream.indirect_vreg.scatter [tilespmem:s25], [sflag:$0x1], $0x80, v22, vm0, $0xb8;
	[tilespmem:$0x10500] =	vst v63  }
0xf9: {  	s20 =	simm.s32 $0x5500;
	v21 =	vadd.s32 v19, v21  }
0xfa: {  	[hbm4b:s12+s2] =	stream.indirect_vreg.scatter [tilespmem:s20], [sflag:$0x1], $0x80, v22, vm0, $0xb8;
	[tilespmem:$0x10500] =	vst v63  }
0xfb: {  	s21 =	simm.s32 $0x5D00  }
0xfc: {  	[hbm4b:s13+s2] =	stream.indirect_vreg.scatter [tilespmem:s21], [sflag:$0x1], $0x80, v22, vm0, $0xb8;
	[tilespmem:$0x10500] =	vst v63  }
0xfd: {  	s22 =	simm.s32 $0x6500  }
0xfe: {  	[hbm4b:s5+s2] =	stream.indirect_vreg.scatter [tilespmem:s22], [sflag:$0x1], $0x80, v21, vm0, $0xb8;
	[tilespmem:$0x10500] =	vst v63  }
0xff: {  	s24 =	simm.s32 $0x6D00  }
0x100: {  	[hbm4b:s11+s2] =	stream.indirect_vreg.scatter [tilespmem:s24], [sflag:$0x1], $0x80, v21, vm0, $0xb8;
	[tilespmem:$0x10500] =	vst v63  }
0x101: {  	s25 =	simm.s32 $0x7500  }
0x102: {  	[hbm4b:s12+s2] =	stream.indirect_vreg.scatter [tilespmem:s25], [sflag:$0x1], $0x80, v21, vm0, $0xb8;
	[tilespmem:$0x10500] =	vst v63  }
0x103: {  	s26 =	simm.s32 $0x7D00  }
0x104: {  	[hbm4b:s13+s2] =	stream.indirect_vreg.scatter [tilespmem:s26], [sflag:$0x1], $0x80, v21, vm0, $0xb8;
	[tilespmem:$0x10500] =	vst v63  }
0x105: {  	v21 =	vld [tilespmem:$0x420];
	_ =	sdelay $0x4  }
0x106: {  	v22 =	vshll.u32 v21, $0x3  }
0x107: {  	v21 =	vand.u32 $0x7, v21;
	v22 =	vand.u32 $0xFFFFFFC0, v22  }
0x108: {  	v21 =	vor.u32 v21, v22  }
0x109: {  	v22 =	vperm.xlane v21, v18;
	_ =	sdelay $0x1  }
0x10a: {  	v22 =	vadd.s32 v19, v22;
	_ =	sdelay $0x3  }
0x10b: {  	s28 =	simm.s32 $0x8500  }
0x10c: {  	[hbm4b:s5+s2] =	stream.indirect_vreg.scatter [tilespmem:s28], [sflag:$0x1], $0x80, v22, vm0, $0xb8;
	[tilespmem:$0x10500] =	vst v63  }
0x10d: {  	s29 =	simm.s32 $0x8D00;
	v21 =	vperm.xlane v21, v20  }
0x10e: {  	[hbm4b:s11+s2] =	stream.indirect_vreg.scatter [tilespmem:s29], [sflag:$0x1], $0x80, v22, vm0, $0xb8;
	[tilespmem:$0x10500] =	vst v63  }
0x10f: {  	s18 =	simm.s32 $0x9500;
	v21 =	vadd.s32 v19, v21  }
0x110: {  	[hbm4b:s12+s2] =	stream.indirect_vreg.scatter [tilespmem:s18], [sflag:$0x1], $0x80, v22, vm0, $0xb8;
	[tilespmem:$0x10500] =	vst v63  }
0x111: {  	s0 =	simm.s32 $0x9D00  }
0x112: {  	[hbm4b:s13+s2] =	stream.indirect_vreg.scatter [tilespmem:s0], [sflag:$0x1], $0x80, v22, vm0, $0xb8;
	[tilespmem:$0x10500] =	vst v63  }
0x113: {  	s30 =	simm.s32 $0xA500  }
0x114: {  	[hbm4b:s5+s2] =	stream.indirect_vreg.scatter [tilespmem:s30], [sflag:$0x1], $0x80, v21, vm0, $0xb8;
	[tilespmem:$0x10500] =	vst v63  }
0x115: {  	s30 =	simm.s32 $0xAD00  }
0x116: {  	[hbm4b:s11+s2] =	stream.indirect_vreg.scatter [tilespmem:s30], [sflag:$0x1], $0x80, v21, vm0, $0xb8;
	[tilespmem:$0x10500] =	vst v63  }
0x117: {  	s6 =	simm.s32 $0xB500  }
0x118: {  	[hbm4b:s12+s2] =	stream.indirect_vreg.scatter [tilespmem:s6], [sflag:$0x1], $0x80, v21, vm0, $0xb8;
	[tilespmem:$0x10500] =	vst v63  }
0x119: {  	s20 =	simm.s32 $0xBD00  }
0x11a: {  	[hbm4b:s13+s2] =	stream.indirect_vreg.scatter [tilespmem:s20], [sflag:$0x1], $0x80, v21, vm0, $0xb8;
	[tilespmem:$0x10500] =	vst v63  }
0x11b: {  	v21 =	vld [tilespmem:$0x430];
	_ =	sdelay $0x4  }
0x11c: {  	v22 =	vshll.u32 v21, $0x3  }
0x11d: {  	v21 =	vand.u32 $0x7, v21;
	v22 =	vand.u32 $0xFFFFFFC0, v22  }
0x11e: {  	v21 =	vor.u32 v21, v22  }
0x11f: {  	v22 =	vperm.xlane v21, v18;
	_ =	sdelay $0x1  }
0x120: {  	v22 =	vadd.s32 v19, v22;
	_ =	sdelay $0x3  }
0x121: {  	s22 =	simm.s32 $0xC500  }
0x122: {  	[hbm4b:s5+s2] =	stream.indirect_vreg.scatter [tilespmem:s22], [sflag:$0x1], $0x80, v22, vm0, $0xb8;
	[tilespmem:$0x10500] =	vst v63  }
0x123: {  	s21 =	simm.s32 $0xCD00;
	v21 =	vperm.xlane v21, v20  }
0x124: {  	[hbm4b:s11+s2] =	stream.indirect_vreg.scatter [tilespmem:s21], [sflag:$0x1], $0x80, v22, vm0, $0xb8;
	[tilespmem:$0x10500] =	vst v63  }
0x125: {  	s14 =	simm.s32 $0xD500;
	v21 =	vadd.s32 v19, v21  }
0x126: {  	[hbm4b:s12+s2] =	stream.indirect_vreg.scatter [tilespmem:s14], [sflag:$0x1], $0x80, v22, vm0, $0xb8;
	[tilespmem:$0x10500] =	vst v63  }
0x127: {  	s14 =	simm.s32 $0xDD00  }
0x128: {  	[hbm4b:s13+s2] =	stream.indirect_vreg.scatter [tilespmem:s14], [sflag:$0x1], $0x80, v22, vm0, $0xb8;
	[tilespmem:$0x10500] =	vst v63  }
0x129: {  	s15 =	simm.s32 $0xE500  }
0x12a: {  	[hbm4b:s5+s2] =	stream.indirect_vreg.scatter [tilespmem:s15], [sflag:$0x1], $0x80, v21, vm0, $0xb8;
	[tilespmem:$0x10500] =	vst v63  }
0x12b: {  	s15 =	simm.s32 $0xED00  }
0x12c: {  	[hbm4b:s11+s2] =	stream.indirect_vreg.scatter [tilespmem:s15], [sflag:$0x1], $0x80, v21, vm0, $0xb8;
	[tilespmem:$0x10500] =	vst v63  }
0x12d: {  	s17 =	simm.s32 $0xF500  }
0x12e: {  	[hbm4b:s12+s2] =	stream.indirect_vreg.scatter [tilespmem:s17], [sflag:$0x1], $0x80, v21, vm0, $0xb8;
	[tilespmem:$0x10500] =	vst v63  }
0x12f: {  	s3 =	simm.s32 $0xFD00  }
0x130: {  	[hbm4b:s13+s2] =	stream.indirect_vreg.scatter [tilespmem:s3], [sflag:$0x1], $0x80, v21, vm0, $0xb8;
	[tilespmem:$0x10500] =	vst v63  }
0x131: {  	_ =	swait.ge [sflag:s1], $0x10000  }
0x132: {  	[sflag:s1] =	ssyncset.done $0x0  }
0x133: {  	[sflag:s1] =	ssyncadd.s32 $0xFFFF0000  }
0x134: {  	v21 =	vld [tilespmem:$0x380];
	_ =	sdelay $0x4  }
0x135: {  	v22 =	vshll.u32 v21, $0x3  }
0x136: {  	v21 =	vand.u32 $0x7, v21;
	v22 =	vand.u32 $0xFFFFFFC0, v22  }
0x137: {  	v21 =	vor.u32 v21, v22  }
0x138: {  	v22 =	vperm.xlane v21, v18;
	_ =	sdelay $0x1  }
0x139: {  	v22 =	vadd.s32 v19, v22;
	_ =	sdelay $0x4  }
0x13a: {  	[tilespmem:s19], [sflag:$0x1] =	stream.indirect_vreg.gather [hbm4b:s31+s2], $0x80, v22, vm0, $0xb8;
	[tilespmem:$0x10500] =	vst v63  }
0x13b: {  	v21 =	vperm.xlane v21, v20;
	s19 =	simm.s32 $0xD00  }
0x13c: {  	[tilespmem:s19], [sflag:$0x1] =	stream.indirect_vreg.gather [hbm4b:s8+s2], $0x80, v22, vm0, $0xb8;
	[tilespmem:$0x10500] =	vst v63  }
0x13d: {  	v21 =	vadd.s32 v19, v21  }
0x13e: {  	[tilespmem:s16], [sflag:$0x1] =	stream.indirect_vreg.gather [hbm4b:s9+s2], $0x80, v22, vm0, $0xb8;
	[tilespmem:$0x10500] =	vst v63  }
0x13f: {  	_ = 	snop  }
0x140: {  	[tilespmem:s4], [sflag:$0x1] =	stream.indirect_vreg.gather [hbm4b:s10+s2], $0x80, v22, vm0, $0xb8;
	[tilespmem:$0x10500] =	vst v63  }
0x141: {  	s3 =	simm.s32 $0x2500  }
0x142: {  	[tilespmem:s3], [sflag:$0x1] =	stream.indirect_vreg.gather [hbm4b:s31+s2], $0x80, v21, vm0, $0xb8;
	[tilespmem:$0x10500] =	vst v63  }
0x143: {  	s19 =	simm.s32 $0x2D00  }
0x144: {  	[tilespmem:s19], [sflag:$0x1] =	stream.indirect_vreg.gather [hbm4b:s8+s2], $0x80, v21, vm0, $0xb8;
	[tilespmem:$0x10500] =	vst v63  }
0x145: {  	s3 =	simm.s32 $0x3500  }
0x146: {  	[tilespmem:s3], [sflag:$0x1] =	stream.indirect_vreg.gather [hbm4b:s9+s2], $0x80, v21, vm0, $0xb8;
	[tilespmem:$0x10500] =	vst v63  }
0x147: {  	_ = 	snop  }
0x148: {  	[tilespmem:s23], [sflag:$0x1] =	stream.indirect_vreg.gather [hbm4b:s10+s2], $0x80, v21, vm0, $0xb8;
	[tilespmem:$0x10500] =	vst v63  }
0x149: {  	v21 =	vld [tilespmem:$0x390];
	_ =	sdelay $0x4  }
0x14a: {  	v22 =	vshll.u32 v21, $0x3  }
0x14b: {  	v21 =	vand.u32 $0x7, v21;
	v22 =	vand.u32 $0xFFFFFFC0, v22  }
0x14c: {  	v21 =	vor.u32 v21, v22  }
0x14d: {  	v22 =	vperm.xlane v21, v18;
	_ =	sdelay $0x1  }
0x14e: {  	v22 =	vadd.s32 v19, v22;
	_ =	sdelay $0x3  }
0x14f: {  	s23 =	simm.s32 $0x4500  }
0x150: {  	[tilespmem:s23], [sflag:$0x1] =	stream.indirect_vreg.gather [hbm4b:s31+s2], $0x80, v22, vm0, $0xb8;
	[tilespmem:$0x10500] =	vst v63  }
0x151: {  	v21 =	vperm.xlane v21, v20;
	s23 =	simm.s32 $0x4D00  }
0x152: {  	[tilespmem:s23], [sflag:$0x1] =	stream.indirect_vreg.gather [hbm4b:s8+s2], $0x80, v22, vm0, $0xb8;
	[tilespmem:$0x10500] =	vst v63  }
0x153: {  	s3 =	simm.s32 $0x5500;
	v21 =	vadd.s32 v19, v21  }
0x154: {  	[tilespmem:s3], [sflag:$0x1] =	stream.indirect_vreg.gather [hbm4b:s9+s2], $0x80, v22, vm0, $0xb8;
	[tilespmem:$0x10500] =	vst v63  }
0x155: {  	s23 =	simm.s32 $0x5D00  }
0x156: {  	[tilespmem:s23], [sflag:$0x1] =	stream.indirect_vreg.gather [hbm4b:s10+s2], $0x80, v22, vm0, $0xb8;
	[tilespmem:$0x10500] =	vst v63  }
0x157: {  	s23 =	simm.s32 $0x6500  }
0x158: {  	[tilespmem:s23], [sflag:$0x1] =	stream.indirect_vreg.gather [hbm4b:s31+s2], $0x80, v21, vm0, $0xb8;
	[tilespmem:$0x10500] =	vst v63  }
0x159: {  	_ = 	snop  }
0x15a: {  	[tilespmem:s24], [sflag:$0x1] =	stream.indirect_vreg.gather [hbm4b:s8+s2], $0x80, v21, vm0, $0xb8;
	[tilespmem:$0x10500] =	vst v63  }
0x15b: {  	_ = 	snop  }
0x15c: {  	[tilespmem:s25], [sflag:$0x1] =	stream.indirect_vreg.gather [hbm4b:s9+s2], $0x80, v21, vm0, $0xb8;
	[tilespmem:$0x10500] =	vst v63  }
0x15d: {  	_ = 	snop  }
0x15e: {  	[tilespmem:s26], [sflag:$0x1] =	stream.indirect_vreg.gather [hbm4b:s10+s2], $0x80, v21, vm0, $0xb8;
	[tilespmem:$0x10500] =	vst v63  }
0x15f: {  	v21 =	vld [tilespmem:$0x3A0];
	_ =	sdelay $0x4  }
0x160: {  	v22 =	vshll.u32 v21, $0x3  }
0x161: {  	v21 =	vand.u32 $0x7, v21;
	v22 =	vand.u32 $0xFFFFFFC0, v22  }
0x162: {  	v21 =	vor.u32 v21, v22  }
0x163: {  	v22 =	vperm.xlane v21, v18;
	_ =	sdelay $0x1  }
0x164: {  	v22 =	vadd.s32 v19, v22;
	_ =	sdelay $0x4  }
0x165: {  	[tilespmem:s28], [sflag:$0x1] =	stream.indirect_vreg.gather [hbm4b:s31+s2], $0x80, v22, vm0, $0xb8;
	[tilespmem:$0x10500] =	vst v63  }
0x166: {  	v21 =	vperm.xlane v21, v20  }
0x167: {  	[tilespmem:s29], [sflag:$0x1] =	stream.indirect_vreg.gather [hbm4b:s8+s2], $0x80, v22, vm0, $0xb8;
	[tilespmem:$0x10500] =	vst v63  }
0x168: {  	v21 =	vadd.s32 v19, v21  }
0x169: {  	[tilespmem:s18], [sflag:$0x1] =	stream.indirect_vreg.gather [hbm4b:s9+s2], $0x80, v22, vm0, $0xb8;
	[tilespmem:$0x10500] =	vst v63  }
0x16a: {  	_ = 	snop  }
0x16b: {  	[tilespmem:s0], [sflag:$0x1] =	stream.indirect_vreg.gather [hbm4b:s10+s2], $0x80, v22, vm0, $0xb8;
	[tilespmem:$0x10500] =	vst v63  }
0x16c: {  	s0 =	simm.s32 $0xA500  }
0x16d: {  	[tilespmem:s0], [sflag:$0x1] =	stream.indirect_vreg.gather [hbm4b:s31+s2], $0x80, v21, vm0, $0xb8;
	[tilespmem:$0x10500] =	vst v63  }
0x16e: {  	_ = 	snop  }
0x16f: {  	[tilespmem:s30], [sflag:$0x1] =	stream.indirect_vreg.gather [hbm4b:s8+s2], $0x80, v21, vm0, $0xb8;
	[tilespmem:$0x10500] =	vst v63  }
0x170: {  	_ = 	snop  }
0x171: {  	[tilespmem:s6], [sflag:$0x1] =	stream.indirect_vreg.gather [hbm4b:s9+s2], $0x80, v21, vm0, $0xb8;
	[tilespmem:$0x10500] =	vst v63  }
0x172: {  	_ = 	snop  }
0x173: {  	[tilespmem:s20], [sflag:$0x1] =	stream.indirect_vreg.gather [hbm4b:s10+s2], $0x80, v21, vm0, $0xb8;
	[tilespmem:$0x10500] =	vst v63  }
0x174: {  	v21 =	vld [tilespmem:$0x3B0];
	_ =	sdelay $0x4  }
0x175: {  	v22 =	vshll.u32 v21, $0x3  }
0x176: {  	v21 =	vand.u32 $0x7, v21;
	v22 =	vand.u32 $0xFFFFFFC0, v22  }
0x177: {  	v21 =	vor.u32 v21, v22  }
0x178: {  	v22 =	vperm.xlane v21, v18;
	_ =	sdelay $0x1  }
0x179: {  	v22 =	vadd.s32 v19, v22;
	_ =	sdelay $0x4  }
0x17a: {  	[tilespmem:s22], [sflag:$0x1] =	stream.indirect_vreg.gather [hbm4b:s31+s2], $0x80, v22, vm0, $0xb8;
	[tilespmem:$0x10500] =	vst v63  }
0x17b: {  	v21 =	vperm.xlane v21, v20  }
0x17c: {  	[tilespmem:s21], [sflag:$0x1] =	stream.indirect_vreg.gather [hbm4b:s8+s2], $0x80, v22, vm0, $0xb8;
	[tilespmem:$0x10500] =	vst v63  }
0x17d: {  	s0 =	simm.s32 $0xD500;
	v21 =	vadd.s32 v19, v21  }
0x17e: {  	[tilespmem:s0], [sflag:$0x1] =	stream.indirect_vreg.gather [hbm4b:s9+s2], $0x80, v22, vm0, $0xb8;
	[tilespmem:$0x10500] =	vst v63  }
0x17f: {  	_ = 	snop  }
0x180: {  	[tilespmem:s14], [sflag:$0x1] =	stream.indirect_vreg.gather [hbm4b:s10+s2], $0x80, v22, vm0, $0xb8;
	[tilespmem:$0x10500] =	vst v63  }
0x181: {  	s14 =	simm.s32 $0xE500  }
0x182: {  	[tilespmem:s14], [sflag:$0x1] =	stream.indirect_vreg.gather [hbm4b:s31+s2], $0x80, v21, vm0, $0xb8;
	[tilespmem:$0x10500] =	vst v63  }
0x183: {  	_ = 	snop  }
0x184: {  	[tilespmem:s15], [sflag:$0x1] =	stream.indirect_vreg.gather [hbm4b:s8+s2], $0x80, v21, vm0, $0xb8;
	[tilespmem:$0x10500] =	vst v63  }
0x185: {  	_ = 	snop  }
0x186: {  	[tilespmem:s17], [sflag:$0x1] =	stream.indirect_vreg.gather [hbm4b:s9+s2], $0x80, v21, vm0, $0xb8;
	[tilespmem:$0x10500] =	vst v63  }
0x187: {  	s6 =	simm.s32 $0xFD00  }
0x188: {  	[tilespmem:s6], [sflag:$0x1] =	stream.indirect_vreg.gather [hbm4b:s10+s2], $0x80, v21, vm0, $0xb8;
	[tilespmem:$0x10500] =	vst v63  }
0x189: {  	_ =	swait.ge [sflag:s1], $0x10000  }
0x18a: {  	[sflag:s1] =	ssyncset.done $0x0  }
0x18b: {  	[sflag:s1] =	ssyncadd.s32 $0xFFFF0000  }
0x18c: {  	v21 =	vld [tilespmem:$0x480];
	_ =	sdelay $0x4  }
0x18d: {  	v22 =	vshll.u32 v21, $0x3  }
0x18e: {  	v21 =	vand.u32 $0x7, v21;
	v22 =	vand.u32 $0xFFFFFFC0, v22  }
0x18f: {  	v21 =	vor.u32 v21, v22  }
0x190: {  	v22 =	vperm.xlane v21, v18;
	_ =	sdelay $0x1  }
0x191: {  	v22 =	vadd.s32 v19, v22;
	_ =	sdelay $0x3  }
0x192: {  	s14 =	simm.s32 $0x500  }
0x193: {  	[hbm4b:s5+s2] =	stream.indirect_vreg.scatter [tilespmem:s14], [sflag:$0x1], $0x80, v22, vm0, $0xb8;
	[tilespmem:$0x10500] =	vst v63  }
0x194: {  	v21 =	vperm.xlane v21, v20;
	s14 =	simm.s32 $0xD00  }
0x195: {  	[hbm4b:s11+s2] =	stream.indirect_vreg.scatter [tilespmem:s14], [sflag:$0x1], $0x80, v22, vm0, $0xb8;
	[tilespmem:$0x10500] =	vst v63  }
0x196: {  	v21 =	vadd.s32 v19, v21  }
0x197: {  	[hbm4b:s12+s2] =	stream.indirect_vreg.scatter [tilespmem:s16], [sflag:$0x1], $0x80, v22, vm0, $0xb8;
	[tilespmem:$0x10500] =	vst v63  }
0x198: {  	_ = 	snop  }
0x199: {  	[hbm4b:s13+s2] =	stream.indirect_vreg.scatter [tilespmem:s4], [sflag:$0x1], $0x80, v22, vm0, $0xb8;
	[tilespmem:$0x10500] =	vst v63  }
0x19a: {  	s14 =	simm.s32 $0x2500  }
0x19b: {  	[hbm4b:s5+s2] =	stream.indirect_vreg.scatter [tilespmem:s14], [sflag:$0x1], $0x80, v21, vm0, $0xb8;
	[tilespmem:$0x10500] =	vst v63  }
0x19c: {  	_ = 	snop  }
0x19d: {  	[hbm4b:s11+s2] =	stream.indirect_vreg.scatter [tilespmem:s19], [sflag:$0x1], $0x80, v21, vm0, $0xb8;
	[tilespmem:$0x10500] =	vst v63  }
0x19e: {  	s16 =	simm.s32 $0x3500  }
0x19f: {  	[hbm4b:s12+s2] =	stream.indirect_vreg.scatter [tilespmem:s16], [sflag:$0x1], $0x80, v21, vm0, $0xb8;
	[tilespmem:$0x10500] =	vst v63  }
0x1a0: {  	s19 =	simm.s32 $0x3D00  }
0x1a1: {  	[hbm4b:s13+s2] =	stream.indirect_vreg.scatter [tilespmem:s19], [sflag:$0x1], $0x80, v21, vm0, $0xb8;
	[tilespmem:$0x10500] =	vst v63  }
0x1a2: {  	v21 =	vld [tilespmem:$0x490];
	_ =	sdelay $0x4  }
0x1a3: {  	v22 =	vshll.u32 v21, $0x3  }
0x1a4: {  	v21 =	vand.u32 $0x7, v21;
	v22 =	vand.u32 $0xFFFFFFC0, v22  }
0x1a5: {  	v21 =	vor.u32 v21, v22  }
0x1a6: {  	v22 =	vperm.xlane v21, v18;
	_ =	sdelay $0x1  }
0x1a7: {  	v22 =	vadd.s32 v19, v22;
	_ =	sdelay $0x3  }
0x1a8: {  	s14 =	simm.s32 $0x4500  }
0x1a9: {  	[hbm4b:s5+s2] =	stream.indirect_vreg.scatter [tilespmem:s14], [sflag:$0x1], $0x80, v22, vm0, $0xb8;
	[tilespmem:$0x10500] =	vst v63  }
0x1aa: {  	s16 =	simm.s32 $0x4D00;
	v21 =	vperm.xlane v21, v20  }
0x1ab: {  	[hbm4b:s11+s2] =	stream.indirect_vreg.scatter [tilespmem:s16], [sflag:$0x1], $0x80, v22, vm0, $0xb8;
	[tilespmem:$0x10500] =	vst v63  }
0x1ac: {  	v21 =	vadd.s32 v19, v21  }
0x1ad: {  	[hbm4b:s12+s2] =	stream.indirect_vreg.scatter [tilespmem:s3], [sflag:$0x1], $0x80, v22, vm0, $0xb8;
	[tilespmem:$0x10500] =	vst v63  }
0x1ae: {  	s19 =	simm.s32 $0x5D00  }
0x1af: {  	[hbm4b:s13+s2] =	stream.indirect_vreg.scatter [tilespmem:s19], [sflag:$0x1], $0x80, v22, vm0, $0xb8;
	[tilespmem:$0x10500] =	vst v63  }
0x1b0: {  	_ = 	snop  }
0x1b1: {  	[hbm4b:s5+s2] =	stream.indirect_vreg.scatter [tilespmem:s23], [sflag:$0x1], $0x80, v21, vm0, $0xb8;
	[tilespmem:$0x10500] =	vst v63  }
0x1b2: {  	s24 =	simm.s32 $0x6D00  }
0x1b3: {  	[hbm4b:s11+s2] =	stream.indirect_vreg.scatter [tilespmem:s24], [sflag:$0x1], $0x80, v21, vm0, $0xb8;
	[tilespmem:$0x10500] =	vst v63  }
0x1b4: {  	s25 =	simm.s32 $0x7500  }
0x1b5: {  	[hbm4b:s12+s2] =	stream.indirect_vreg.scatter [tilespmem:s25], [sflag:$0x1], $0x80, v21, vm0, $0xb8;
	[tilespmem:$0x10500] =	vst v63  }
0x1b6: {  	s26 =	simm.s32 $0x7D00  }
0x1b7: {  	[hbm4b:s13+s2] =	stream.indirect_vreg.scatter [tilespmem:s26], [sflag:$0x1], $0x80, v21, vm0, $0xb8;
	[tilespmem:$0x10500] =	vst v63  }
0x1b8: {  	v21 =	vld [tilespmem:$0x4A0];
	_ =	sdelay $0x4  }
0x1b9: {  	v22 =	vshll.u32 v21, $0x3  }
0x1ba: {  	v21 =	vand.u32 $0x7, v21;
	v22 =	vand.u32 $0xFFFFFFC0, v22  }
0x1bb: {  	v21 =	vor.u32 v21, v22  }
0x1bc: {  	v22 =	vperm.xlane v21, v18;
	_ =	sdelay $0x1  }
0x1bd: {  	v22 =	vadd.s32 v19, v22;
	_ =	sdelay $0x3  }
0x1be: {  	s28 =	simm.s32 $0x8500  }
0x1bf: {  	[hbm4b:s5+s2] =	stream.indirect_vreg.scatter [tilespmem:s28], [sflag:$0x1], $0x80, v22, vm0, $0xb8;
	[tilespmem:$0x10500] =	vst v63  }
0x1c0: {  	s29 =	simm.s32 $0x8D00;
	v21 =	vperm.xlane v21, v20  }
0x1c1: {  	[hbm4b:s11+s2] =	stream.indirect_vreg.scatter [tilespmem:s29], [sflag:$0x1], $0x80, v22, vm0, $0xb8;
	[tilespmem:$0x10500] =	vst v63  }
0x1c2: {  	s18 =	simm.s32 $0x9500;
	v21 =	vadd.s32 v19, v21  }
0x1c3: {  	[hbm4b:s12+s2] =	stream.indirect_vreg.scatter [tilespmem:s18], [sflag:$0x1], $0x80, v22, vm0, $0xb8;
	[tilespmem:$0x10500] =	vst v63  }
0x1c4: {  	s25 =	simm.s32 $0x9D00  }
0x1c5: {  	[hbm4b:s13+s2] =	stream.indirect_vreg.scatter [tilespmem:s25], [sflag:$0x1], $0x80, v22, vm0, $0xb8;
	[tilespmem:$0x10500] =	vst v63  }
0x1c6: {  	s26 =	simm.s32 $0xA500  }
0x1c7: {  	[hbm4b:s5+s2] =	stream.indirect_vreg.scatter [tilespmem:s26], [sflag:$0x1], $0x80, v21, vm0, $0xb8;
	[tilespmem:$0x10500] =	vst v63  }
0x1c8: {  	s30 =	simm.s32 $0xAD00  }
0x1c9: {  	[hbm4b:s11+s2] =	stream.indirect_vreg.scatter [tilespmem:s30], [sflag:$0x1], $0x80, v21, vm0, $0xb8;
	[tilespmem:$0x10500] =	vst v63  }
0x1ca: {  	s28 =	simm.s32 $0xB500  }
0x1cb: {  	[hbm4b:s12+s2] =	stream.indirect_vreg.scatter [tilespmem:s28], [sflag:$0x1], $0x80, v21, vm0, $0xb8;
	[tilespmem:$0x10500] =	vst v63  }
0x1cc: {  	s20 =	simm.s32 $0xBD00  }
0x1cd: {  	[hbm4b:s13+s2] =	stream.indirect_vreg.scatter [tilespmem:s20], [sflag:$0x1], $0x80, v21, vm0, $0xb8;
	[tilespmem:$0x10500] =	vst v63  }
0x1ce: {  	v21 =	vld [tilespmem:$0x4B0];
	_ =	sdelay $0x4  }
0x1cf: {  	v22 =	vshll.u32 v21, $0x3  }
0x1d0: {  	v21 =	vand.u32 $0x7, v21;
	v22 =	vand.u32 $0xFFFFFFC0, v22  }
0x1d1: {  	v21 =	vor.u32 v21, v22  }
0x1d2: {  	v22 =	vperm.xlane v21, v18;
	_ =	sdelay $0x1  }
0x1d3: {  	v22 =	vadd.s32 v19, v22;
	_ =	sdelay $0x3  }
0x1d4: {  	s22 =	simm.s32 $0xC500  }
0x1d5: {  	[hbm4b:s5+s2] =	stream.indirect_vreg.scatter [tilespmem:s22], [sflag:$0x1], $0x80, v22, vm0, $0xb8;
	[tilespmem:$0x10500] =	vst v63  }
0x1d6: {  	s21 =	simm.s32 $0xCD00;
	v21 =	vperm.xlane v21, v20  }
0x1d7: {  	[hbm4b:s11+s2] =	stream.indirect_vreg.scatter [tilespmem:s21], [sflag:$0x1], $0x80, v22, vm0, $0xb8;
	[tilespmem:$0x10500] =	vst v63  }
0x1d8: {  	v21 =	vadd.s32 v19, v21  }
0x1d9: {  	[hbm4b:s12+s2] =	stream.indirect_vreg.scatter [tilespmem:s0], [sflag:$0x1], $0x80, v22, vm0, $0xb8;
	[tilespmem:$0x10500] =	vst v63  }
0x1da: {  	s29 =	simm.s32 $0xDD00  }
0x1db: {  	[hbm4b:s13+s2] =	stream.indirect_vreg.scatter [tilespmem:s29], [sflag:$0x1], $0x80, v22, vm0, $0xb8;
	[tilespmem:$0x10500] =	vst v63  }
0x1dc: {  	s31 =	simm.s32 $0xE500  }
0x1dd: {  	[hbm4b:s5+s2] =	stream.indirect_vreg.scatter [tilespmem:s31], [sflag:$0x1], $0x80, v21, vm0, $0xb8;
	[tilespmem:$0x10500] =	vst v63  }
0x1de: {  	s15 =	simm.s32 $0xED00  }
0x1df: {  	[hbm4b:s11+s2] =	stream.indirect_vreg.scatter [tilespmem:s15], [sflag:$0x1], $0x80, v21, vm0, $0xb8;
	[tilespmem:$0x10500] =	vst v63  }
0x1e0: {  	s17 =	simm.s32 $0xF500  }
0x1e1: {  	[hbm4b:s12+s2] =	stream.indirect_vreg.scatter [tilespmem:s17], [sflag:$0x1], $0x80, v21, vm0, $0xb8;
	[tilespmem:$0x10500] =	vst v63  }
0x1e2: {  	_ = 	snop  }
0x1e3: {  	[hbm4b:s13+s2] =	stream.indirect_vreg.scatter [tilespmem:s6], [sflag:$0x1], $0x80, v21, vm0, $0xb8;
	[tilespmem:$0x10500] =	vst v63  }
0x1e4: {  	_ =	swait.ge [sflag:s1], $0x10000  }
0x1e5: {  	s30 =	rddreg [dreg:$0x7]  }
0x1e6: {  	s31 =	rddreg [dreg:$0x6];
	s3 =	sadd.s32 $0x1, s30  }
0x1e7: {  	p0 =	sne.s32 s3, s31  }
.Ltmp1:
0x1e8: {  	_ = 	snop;
	(pc) =	sbr.rel @p0 .LBB2_1-.Ltmp1, $3  }
0x1e9: {  	_ =	sdelay $0x1  }
0x1ea: {  	[sflag:s1] =	ssyncset.done $0x0  }
0x1eb: {  	[sflag:s1] =	ssyncadd.s32 $0xFFFF0000  }
0x1ec: {  	_ =	sfence.sel $0x180000  }
0x1ed: {  	[bflag:$0x0] =	sbarrier.arrive $0xFFFF  }
0x1ee: {  	_ =	strace $0x90000047  }
0x1ef: {  	s0 =	stileid.u32;
	[bflag:$0x2] =	sbarrier.arrive $0xFFFF  }
0x1f0: {  	p0 =	sne.s32 s0, $0x0;
	s0 =	rddreg [dreg:$0x3]  }
0x1f1: {  	s0 =	sadd.s32 @!p0 $0x100000, s0  }
0x1f2: {  	[sflag:s0] =	ssyncadd.tile.s32 @!p0 $0x1;
	_ =	shalt  }
.Lfunc_end2:
_tile_overlayer_lowered:
.L_overlay_start_2:
0x1f3: {  	(tag) =	ssettag $0x2  }
0x1f4: {  	s0 =	rddreg [dreg:$0x0];
	s2 =	stileid.u32  }
0x1f5: {  	s1 =	rddreg [dreg:$0x1];
	p0 =	sne.s32 s2, $0x0  }
0x1f6: {  	s3 =	rddreg [dreg:$0x2];
	[bflag:$0x3] =	sbarrier.arrive $0xFFFF;
	s2 =	simm.s32 @!p0 $0x1C02  }
0x1f7: {  	[timem:s3], [sflag:s2] =	dma.local @!p0 [hbm:s0], s1  }
0x1f8: {  	s0 =	simm.s32 @!p0 $0x2  }
0x1f9: {  	_ =	swait.ge @!p0 [sflag:s0], s1  }
0x1fa: {  	s1 =	ssub.s32 @!p0 $0x0, s1;
	[sflag:s0] =	ssyncset.done @!p0 $0x0  }
0x1fb: {  	[sflag:s0] =	ssyncadd.s32 @!p0 s1  }
0x1fc: {  	[bflag:$0x3] =	sbarrier.arrive $0xFFFF  }
0x1fd: {  	_ =	shalt  }

</sc_bundles>
